<compile_context>
chip_gen: v7x
topology: tpu7x:2x2x1
jax: 0.10.2.dev20260603
libtpu: 0.0.44.dev20260713+nightly
codegen_flags: <defaults>
</compile_context>

<pallas_src>
import functools

import jax
import jax.numpy as jnp
from jax import lax
from jax.experimental import pallas as pl
from jax.experimental.pallas import tpu as pltpu
from jax.experimental.pallas import tpu_sc as plsc

_LIKELIHOOD_TOPK = 5
_NC, _NS, _L = 2, 16, 16
_NW = _NC * _NS
_ACC = 4
_EXP_MASK = 0x7FFFFFFF
_INF_BITS = 0x7F800000


def _sc_count_body(t_hbm, cnt_out, buf0, buf1, stage, sem0, sem1, *, sc_cols, chunk_cols):
    nrows, _ = t_hbm.shape
    bands = nrows // 8
    halves = _NW // bands
    colspan = sc_cols // halves
    nchunk = colspan // chunk_cols

    wid = lax.axis_index("s") * _NC + lax.axis_index("c")
    band = wid // halves
    col0 = (wid % halves) * colspan
    bufs = (buf0, buf1)
    sems = (sem0, sem1)

    def _slice(c):
        return t_hbm.at[pl.ds(band * 8, 8), pl.ds(col0 + c * chunk_cols, chunk_cols)]

    copy = pltpu.async_copy(_slice(0), buf0, sem0)
    accs = tuple(jnp.zeros((_L,), jnp.int32) for _ in range(_ACC))
    for c in range(nchunk):
        if c + 1 < nchunk:
            nxt = pltpu.async_copy(_slice(c + 1), bufs[(c + 1) % 2], sems[(c + 1) % 2])
        copy.wait()
        buf = bufs[c % 2]

        def row_loop(r, accs, buf=buf):
            def step(j, accs, buf=buf, r=r):
                out = []
                for k in range(_ACC):
                    t = buf[r, pl.ds((j * _ACC + k) * _L, _L)]
                    u = lax.bitcast_convert_type(t, jnp.int32)
                    is_nan = (u & _EXP_MASK) > _INF_BITS
                    out.append(accs[k] + jnp.where(is_nan, 1, 0))
                return tuple(out)

            return lax.fori_loop(0, chunk_cols // (_L * _ACC), step, accs, unroll=2)

        accs = lax.fori_loop(0, 8, row_loop, accs)
        if c + 1 < nchunk:
            copy = nxt

    cnt = (accs[0] + accs[1]) + (accs[2] + accs[3])
    stage[...] = cnt.astype(jnp.float32)
    pltpu.sync_copy(stage, cnt_out.at[pl.ds(wid * _L, _L)])


def _tc_dense_body(l0, l1, l2, l3, tr, zs_ref, acc_ref):
    i = pl.program_id(0)

    @pl.when(i == 0)
    def _init():
        acc_ref[0] = jnp.float32(0.0)
        acc_ref[1] = jnp.float32(0.0)

    z = jnp.float32(0.0)
    for l_ref in (l0, l1, l2, l3):
        l = l_ref[...]
        z = z + jnp.sum(jnp.float32(0.0) * l) + jnp.sum(jnp.float32(0.0) * (-l))
    u = lax.bitcast_convert_type(tr[...], jnp.int32)
    is_nan = (u & _EXP_MASK) > _INF_BITS
    c = jnp.sum(jnp.where(is_nan, 1, 0)).astype(jnp.float32)
    acc_ref[0] = acc_ref[0] + z
    acc_ref[1] = acc_ref[1] + c

    @pl.when(i == pl.num_programs(0) - 1)
    def _emit():
        zs_ref[0] = acc_ref[0]
        zs_ref[1] = acc_ref[1]


def _finalize_body(cnt_ref, zs_ref, out_ref, *, total, num_top_k):
    nan_cnt = jnp.sum(cnt_ref[...]) + zs_ref[1]
    denom = jnp.float32(total) - jnp.minimum(nan_cnt, jnp.float32(num_top_k))
    out_ref[0, 0] = zs_ref[0] / denom


def kernel(logits, targets):
    B, N = targets.shape
    total = B * N
    sc_cols = (3 * N) // 4
    chunk_cols = 4096

    mesh = plsc.VectorSubcoreMesh(core_axis_name="c", subcore_axis_name="s")
    sc_count = functools.partial(
        pl.kernel,
        mesh=mesh,
        out_type=jax.ShapeDtypeStruct((_NW * _L,), jnp.float32),
        scratch_types=[
            pltpu.VMEM((8, chunk_cols), jnp.float32),
            pltpu.VMEM((8, chunk_cols), jnp.float32),
            pltpu.VMEM((_L,), jnp.float32),
            pltpu.SemaphoreType.DMA,
            pltpu.SemaphoreType.DMA,
        ],
    )(functools.partial(_sc_count_body, sc_cols=sc_cols, chunk_cols=chunk_cols))

    cnt = sc_count(targets)

    grid = 8
    nstream = 4
    lblk = N // (nstream * grid)
    tblk = (N - sc_cols) // grid
    toff = sc_cols // tblk
    zs = pl.pallas_call(
        _tc_dense_body,
        grid=(grid,),
        in_specs=[
            pl.BlockSpec((B, lblk), lambda i, s=s, g=grid: (0, i + s * g))
            for s in range(nstream)
        ]
        + [pl.BlockSpec((B, tblk), lambda i, o=toff: (0, i + o))],
        out_specs=pl.BlockSpec(memory_space=pltpu.SMEM),
        out_shape=jax.ShapeDtypeStruct((2,), jnp.float32),
        scratch_shapes=[pltpu.SMEM((2,), jnp.float32)],
    )(*([logits] * nstream), targets)

    out = pl.pallas_call(
        functools.partial(
            _finalize_body, total=float(total), num_top_k=float(_LIKELIHOOD_TOPK * B)
        ),
        in_specs=[
            pl.BlockSpec((_NW * _L,), lambda: (0,)),
            pl.BlockSpec(memory_space=pltpu.SMEM),
        ],
        out_specs=pl.BlockSpec(memory_space=pltpu.SMEM),
        out_shape=jax.ShapeDtypeStruct((1, 1), jnp.float32),
    )(cnt, zs)
    return out[0, 0]

# --- scband reference (transcript-rebuilt; emitter-appended) ---
"""Pipeline reference for scband-partial-loss-70574902607911 (READ-ONLY COPY).

The authoritative reference and input builder live on the scoring server;
editing this copy changes nothing except your own understanding.
"""

import jax, jax.numpy as jnp
import numpy as np

LIKELIHOOD_TOPK = 5


def setup_inputs(seed: int = 0) -> dict:
    key = jax.random.key(seed)
    k1, k2, k3 = jax.random.split(key, 3)
    B, N = 128, 32768
    logits = jax.random.normal(k1, (B, N), dtype=jnp.float32)
    # 0/1 partial labels with ~50% unknown (NaN) entries, as in partial-label training
    base = (jax.random.uniform(k2, (B, N)) > 0.5).astype(jnp.float32)
    nan_mask = jax.random.uniform(k3, (B, N)) < 0.5
    targets = jnp.where(nan_mask, jnp.float32(jnp.nan), base)
    return {"logits": logits, "targets": targets}


def reference(logits, targets):
    # PartialLoss, partial_loss_mode='selective', class_priors=None,
    # lossfn_pos = lossfn_neg = NoneLossTerm (p -> 0*p), reduction='mean', normalize=False
    B, N = targets.shape
    num_top_k = LIKELIHOOD_TOPK * B
    targets_flat = targets.reshape(-1)
    isnan_t = jnp.isnan(targets_flat)
    xs_neg_flat = (-logits).reshape(-1)
    # torch: argsort(xs_neg[cond]) ascending, take first num_top_k among NaN positions.
    # Fixed-shape equivalent (valid because #NaN >> num_top_k): push non-NaN slots to +inf.
    masked = jnp.where(isnan_t, xs_neg_flat, jnp.float32(jnp.inf))
    order = jnp.argsort(masked)
    sel_idx = order[:num_top_k]
    selective_flat = jnp.zeros_like(targets_flat).at[sel_idx].set(jnp.float32(jnp.nan))
    selective = selective_flat.reshape(B, N)
    pseudo_target = jnp.where(jnp.isnan(targets), selective, targets)
    weights_pos = jnp.where(jnp.isnan(pseudo_target), 0.0, pseudo_target)
    weights_neg = jnp.where(jnp.isnan(pseudo_target), 0.0, 1.0 - pseudo_target)
    loss_pos = 0.0 * logits          # NoneLossTerm(logits)
    loss_neg = 0.0 * (-logits)       # NoneLossTerm(-logits)
    total_loss = loss_pos * weights_pos + loss_neg * weights_neg
    denom = jnp.sum(~jnp.isnan(pseudo_target)).astype(total_loss.dtype)
    return total_loss.sum() / denom

if __name__ == "__main__":
    import jax
    _d = setup_inputs()
    print(jax.jit(kernel)(*tuple(_d.values())))

</pallas_src>

<mosaic_0001>
#map = affine_map<(d0, d1) -> (0, 0)>
#map1 = affine_map<(d0, d1) -> (0)>
module attributes {stable_mosaic.version = 14 : i64} {
  func.func @_sc_count_body(%arg0: i32, %arg1: i32, %arg2: memref<128x32768xf32, #tpu.memory_space<hbm>>, %arg3: memref<512xf32, #tpu.memory_space<hbm>>, %arg4: memref<8x4096xf32, #tpu.memory_space<vmem>>, %arg5: memref<8x4096xf32, #tpu.memory_space<vmem>>, %arg6: memref<16xf32, #tpu.memory_space<vmem>>, %arg7: memref<!tpu.dma_semaphore, #tpu.memory_space<semaphore_mem>>, %arg8: memref<!tpu.dma_semaphore, #tpu.memory_space<semaphore_mem>>) attributes {dimension_semantics = [#tpu.dimension_semantics<core_parallel>, #tpu.dimension_semantics<subcore_parallel>], iteration_bounds = array<i64: 2, 16>, scalar_prefetch = 0 : i64, scratch_operands = 5 : i64, tpu.core_type = #tpu.core_type<sc_vector_subcore>, window_params = [{transform_indices = #map}, {transform_indices = #map1}]} {
    %mul3A = arith.constant 2 : i32
    %mul3A_0 = arith.muli %arg1, %mul3A : i32
    %add3A = arith.addi %mul3A_0, %arg0 : i32
    %jit3A = arith.constant 2 : i32
    %div3A = arith.divsi %add3A, %jit3A : i32
    %sign3A = arith.constant 0 : i32
    %sign3A_1 = arith.cmpi sgt, %add3A, %sign3A : i32
    %sign3A_2 = arith.extui %sign3A_1 : i1 to i32
    %sign3A_3 = arith.constant 0 : i32
    %sign3A_4 = arith.cmpi slt, %add3A, %sign3A_3 : i32
    %sign3A_5 = arith.extui %sign3A_4 : i1 to i32
    %sign3A_6 = arith.subi %sign3A_2, %sign3A_5 : i32
    %sign3A_7 = arith.constant 0 : i32
    %sign3A_8 = arith.cmpi sgt, %jit3A, %sign3A_7 : i32
    %sign3A_9 = arith.extui %sign3A_8 : i1 to i32
    %sign3A_10 = arith.constant 0 : i32
    %sign3A_11 = arith.cmpi slt, %jit3A, %sign3A_10 : i32
    %sign3A_12 = arith.extui %sign3A_11 : i1 to i32
    %sign3A_13 = arith.subi %sign3A_9, %sign3A_12 : i32
    %ne3A = arith.cmpi ne, %sign3A_6, %sign3A_13 : i32
    %rem3A = arith.remsi %add3A, %jit3A : i32
    %ne3A_14 = arith.constant 0 : i32
    %ne3A_15 = arith.cmpi ne, %rem3A, %ne3A_14 : i32
    %and3A = arith.andi %ne3A, %ne3A_15 : i1
    %sub3A = arith.constant 1 : i32
    %sub3A_16 = arith.subi %div3A, %sub3A : i32
    %select_n3A = arith.select %and3A, %sub3A_16, %div3A : i32
    %jit3A_17 = arith.constant 2 : i32
    %eq3A = arith.constant 0 : i32
    %eq3A_18 = arith.cmpi eq, %jit3A_17, %eq3A : i32
    %jit3A_19 = arith.constant 1 : i32
    %select_n3A_20 = arith.select %eq3A_18, %jit3A_19, %jit3A_17 : i32
    %rem3A_21 = arith.remsi %add3A, %select_n3A_20 : i32
    %ne3A_22 = arith.constant 0 : i32
    %ne3A_23 = arith.cmpi ne, %rem3A_21, %ne3A_22 : i32
    %lt3A = arith.constant 0 : i32
    %lt3A_24 = arith.cmpi slt, %rem3A_21, %lt3A : i32
    %lt3A_25 = arith.constant 0 : i32
    %lt3A_26 = arith.cmpi slt, %select_n3A_20, %lt3A_25 : i32
    %ne3A_27 = arith.xori %lt3A_24, %lt3A_26 : i1
    %and3A_28 = arith.andi %ne3A_27, %ne3A_23 : i1
    %add3A_29 = arith.addi %rem3A_21, %select_n3A_20 : i32
    %select_n3A_30 = arith.select %and3A_28, %add3A_29, %rem3A_21 : i32
    %mul3A_31 = arith.constant 12288 : i32
    %mul3A_32 = arith.muli %select_n3A_30, %mul3A_31 : i32
    %mul3A_33 = arith.constant 8 : i32
    %mul3A_34 = arith.muli %select_n3A, %mul3A_33 : i32
    %add3A_35 = arith.constant 0 : i32
    %add3A_36 = arith.addi %mul3A_32, %add3A_35 : i32
    %dma_start3A = tpu.memref_slice %arg2[%mul3A_34, %add3A_36] : memref<128x32768xf32, #tpu.memory_space<hbm>> -> memref<8x4096xf32, #tpu.memory_space<hbm>>
    %dma_start3A_37 = tpu.memref_slice %arg2[%mul3A_34, %add3A_36] : memref<128x32768xf32, #tpu.memory_space<hbm>> -> memref<8x4096xf32, #tpu.memory_space<hbm>>
    tpu.enqueue_dma source(%dma_start3A_37 : memref<8x4096xf32, #tpu.memory_space<hbm>>) target(%arg4 : memref<8x4096xf32, #tpu.memory_space<vmem>>) target_semaphore(%arg7 : memref<!tpu.dma_semaphore, #tpu.memory_space<semaphore_mem>>)
    %broadcast_in_dim3A = arith.constant 0 : i32
    %broadcast_in_dim3A_38 = vector.broadcast %broadcast_in_dim3A : i32 to vector<16xi32>
    %broadcast_in_dim3A_39 = arith.constant 0 : i32
    %broadcast_in_dim3A_40 = vector.broadcast %broadcast_in_dim3A_39 : i32 to vector<16xi32>
    %broadcast_in_dim3A_41 = arith.constant 0 : i32
    %broadcast_in_dim3A_42 = vector.broadcast %broadcast_in_dim3A_41 : i32 to vector<16xi32>
    %broadcast_in_dim3A_43 = arith.constant 0 : i32
    %broadcast_in_dim3A_44 = vector.broadcast %broadcast_in_dim3A_43 : i32 to vector<16xi32>
    %mul3A_45 = arith.constant 8 : i32
    %mul3A_46 = arith.muli %select_n3A, %mul3A_45 : i32
    %add3A_47 = arith.constant 4096 : i32
    %add3A_48 = arith.addi %mul3A_32, %add3A_47 : i32
    %dma_start3A_49 = tpu.memref_slice %arg2[%mul3A_46, %add3A_48] : memref<128x32768xf32, #tpu.memory_space<hbm>> -> memref<8x4096xf32, #tpu.memory_space<hbm>>
    %dma_start3A_50 = tpu.memref_slice %arg2[%mul3A_46, %add3A_48] : memref<128x32768xf32, #tpu.memory_space<hbm>> -> memref<8x4096xf32, #tpu.memory_space<hbm>>
    tpu.enqueue_dma source(%dma_start3A_50 : memref<8x4096xf32, #tpu.memory_space<hbm>>) target(%arg5 : memref<8x4096xf32, #tpu.memory_space<vmem>>) target_semaphore(%arg8 : memref<!tpu.dma_semaphore, #tpu.memory_space<semaphore_mem>>)
    %dma_wait3A = tpu.memref_slice %arg2[%mul3A_34, %add3A_36] : memref<128x32768xf32, #tpu.memory_space<hbm>> -> memref<8x4096xf32, #tpu.memory_space<hbm>>
    %dma_wait3A_51 = tpu.memref_slice %arg2[%mul3A_34, %add3A_36] : memref<128x32768xf32, #tpu.memory_space<hbm>> -> memref<8x4096xf32, #tpu.memory_space<hbm>>
    tpu.wait_dma2 semaphore(%arg7 : memref<!tpu.dma_semaphore, #tpu.memory_space<semaphore_mem>>) src(%dma_wait3A_51 : memref<8x4096xf32, #tpu.memory_space<hbm>>) dst(%arg4 : memref<8x4096xf32, #tpu.memory_space<vmem>>)
    %scan3A = arith.constant 0 : i32
    %scan3A_52 = arith.constant 8 : i32
    %scan3A_53 = arith.addi %scan3A, %scan3A_52 : i32
    %scan3A_54 = arith.constant 1 : i32
    %scan3A_55:4 = scf.for %scan3A_87 = %scan3A to %scan3A_53 step %scan3A_54 iter_args(%scan3A_88 = %broadcast_in_dim3A_38, %scan3A_89 = %broadcast_in_dim3A_40, %scan3A_90 = %broadcast_in_dim3A_42, %scan3A_91 = %broadcast_in_dim3A_44) -> (vector<16xi32>, vector<16xi32>, vector<16xi32>, vector<16xi32>)  : i32 {
      %scan3A_92 = arith.constant 0 : i32
      %scan3A_93 = arith.constant 64 : i32
      %scan3A_94 = arith.addi %scan3A_92, %scan3A_93 : i32
      %scan3A_95 = arith.constant 2 : i32
      %scan3A_96:4 = scf.for %scan3A_98 = %scan3A_92 to %scan3A_94 step %scan3A_95 iter_args(%scan3A_99 = %scan3A_88, %scan3A_100 = %scan3A_89, %scan3A_101 = %scan3A_90, %scan3A_102 = %scan3A_91) -> (vector<16xi32>, vector<16xi32>, vector<16xi32>, vector<16xi32>)  : i32 {
        %mul3A_103 = arith.constant 4 : i32
        %mul3A_104 = arith.muli %scan3A_98, %mul3A_103 : i32
        %add3A_105 = arith.constant 0 : i32
        %add3A_106 = arith.addi %mul3A_104, %add3A_105 : i32
        %mul3A_107 = arith.constant 16 : i32
        %mul3A_108 = arith.muli %add3A_106, %mul3A_107 : i32
        %get3A = arith.index_cast %scan3A_87 : i32 to index
        %get3A_109 = arith.index_cast %mul3A_108 : i32 to index
        %get3A_110 = tpu.vector_load %arg4[%get3A, %get3A_109] {strides = array<i32>} : memref<8x4096xf32, #tpu.memory_space<vmem>>, vector<1x16xf32>,
        %get3A_111 = vector.shape_cast %get3A_110 : vector<1x16xf32> to vector<16xf32>
        %bitcast_convert_type3A = tpu.bitcast %get3A_111 : vector<16xf32> -> vector<16xi32>
        %and3A_112 = arith.constant 2147483647 : i32
        %and3A_113 = vector.broadcast %and3A_112 : i32 to vector<16xi32>
        %and3A_114 = arith.andi %bitcast_convert_type3A, %and3A_113 : vector<16xi32>
        %gt3A = arith.constant 2139095040 : i32
        %gt3A_115 = vector.broadcast %gt3A : i32 to vector<16xi32>
        %gt3A_116 = arith.cmpi sgt, %and3A_114, %gt3A_115 : vector<16xi32>
        %jit3A_117 = arith.constant 1 : i32
        %jit3A_118 = arith.constant 0 : i32
        %broadcast_in_dim3A_119 = vector.broadcast %jit3A_117 : i32 to vector<16xi32>
        %broadcast_in_dim3A_120 = vector.broadcast %jit3A_118 : i32 to vector<16xi32>
        %select_n3A_121 = arith.select %gt3A_116, %broadcast_in_dim3A_119, %broadcast_in_dim3A_120 : vector<16xi1>, vector<16xi32>
        %add3A_122 = arith.addi %scan3A_99, %select_n3A_121 : vector<16xi32>
        %mul3A_123 = arith.constant 4 : i32
        %mul3A_124 = arith.muli %scan3A_98, %mul3A_123 : i32
        %add3A_125 = arith.constant 1 : i32
        %add3A_126 = arith.addi %mul3A_124, %add3A_125 : i32
        %mul3A_127 = arith.constant 16 : i32
        %mul3A_128 = arith.muli %add3A_126, %mul3A_127 : i32
        %get3A_129 = arith.index_cast %scan3A_87 : i32 to index
        %get3A_130 = arith.index_cast %mul3A_128 : i32 to index
        %get3A_131 = tpu.vector_load %arg4[%get3A_129, %get3A_130] {strides = array<i32>} : memref<8x4096xf32, #tpu.memory_space<vmem>>, vector<1x16xf32>,
        %get3A_132 = vector.shape_cast %get3A_131 : vector<1x16xf32> to vector<16xf32>
        %bitcast_convert_type3A_133 = tpu.bitcast %get3A_132 : vector<16xf32> -> vector<16xi32>
        %and3A_134 = arith.constant 2147483647 : i32
        %and3A_135 = vector.broadcast %and3A_134 : i32 to vector<16xi32>
        %and3A_136 = arith.andi %bitcast_convert_type3A_133, %and3A_135 : vector<16xi32>
        %gt3A_137 = arith.constant 2139095040 : i32
        %gt3A_138 = vector.broadcast %gt3A_137 : i32 to vector<16xi32>
        %gt3A_139 = arith.cmpi sgt, %and3A_136, %gt3A_138 : vector<16xi32>
        %jit3A_140 = arith.constant 1 : i32
        %jit3A_141 = arith.constant 0 : i32
        %broadcast_in_dim3A_142 = vector.broadcast %jit3A_140 : i32 to vector<16xi32>
        %broadcast_in_dim3A_143 = vector.broadcast %jit3A_141 : i32 to vector<16xi32>
        %select_n3A_144 = arith.select %gt3A_139, %broadcast_in_dim3A_142, %broadcast_in_dim3A_143 : vector<16xi1>, vector<16xi32>
        %add3A_145 = arith.addi %scan3A_100, %select_n3A_144 : vector<16xi32>
        %mul3A_146 = arith.constant 4 : i32
        %mul3A_147 = arith.muli %scan3A_98, %mul3A_146 : i32
        %add3A_148 = arith.constant 2 : i32
        %add3A_149 = arith.addi %mul3A_147, %add3A_148 : i32
        %mul3A_150 = arith.constant 16 : i32
        %mul3A_151 = arith.muli %add3A_149, %mul3A_150 : i32
        %get3A_152 = arith.index_cast %scan3A_87 : i32 to index
        %get3A_153 = arith.index_cast %mul3A_151 : i32 to index
        %get3A_154 = tpu.vector_load %arg4[%get3A_152, %get3A_153] {strides = array<i32>} : memref<8x4096xf32, #tpu.memory_space<vmem>>, vector<1x16xf32>,
        %get3A_155 = vector.shape_cast %get3A_154 : vector<1x16xf32> to vector<16xf32>
        %bitcast_convert_type3A_156 = tpu.bitcast %get3A_155 : vector<16xf32> -> vector<16xi32>
        %and3A_157 = arith.constant 2147483647 : i32
        %and3A_158 = vector.broadcast %and3A_157 : i32 to vector<16xi32>
        %and3A_159 = arith.andi %bitcast_convert_type3A_156, %and3A_158 : vector<16xi32>
        %gt3A_160 = arith.constant 2139095040 : i32
        %gt3A_161 = vector.broadcast %gt3A_160 : i32 to vector<16xi32>
        %gt3A_162 = arith.cmpi sgt, %and3A_159, %gt3A_161 : vector<16xi32>
        %jit3A_163 = arith.constant 1 : i32
        %jit3A_164 = arith.constant 0 : i32
        %broadcast_in_dim3A_165 = vector.broadcast %jit3A_163 : i32 to vector<16xi32>
        %broadcast_in_dim3A_166 = vector.broadcast %jit3A_164 : i32 to vector<16xi32>
        %select_n3A_167 = arith.select %gt3A_162, %broadcast_in_dim3A_165, %broadcast_in_dim3A_166 : vector<16xi1>, vector<16xi32>
        %add3A_168 = arith.addi %scan3A_101, %select_n3A_167 : vector<16xi32>
        %mul3A_169 = arith.constant 4 : i32
        %mul3A_170 = arith.muli %scan3A_98, %mul3A_169 : i32
        %add3A_171 = arith.constant 3 : i32
        %add3A_172 = arith.addi %mul3A_170, %add3A_171 : i32
        %mul3A_173 = arith.constant 16 : i32
        %mul3A_174 = arith.muli %add3A_172, %mul3A_173 : i32
        %get3A_175 = arith.index_cast %scan3A_87 : i32 to index
        %get3A_176 = arith.index_cast %mul3A_174 : i32 to index
        %get3A_177 = tpu.vector_load %arg4[%get3A_175, %get3A_176] {strides = array<i32>} : memref<8x4096xf32, #tpu.memory_space<vmem>>, vector<1x16xf32>,
        %get3A_178 = vector.shape_cast %get3A_177 : vector<1x16xf32> to vector<16xf32>
        %bitcast_convert_type3A_179 = tpu.bitcast %get3A_178 : vector<16xf32> -> vector<16xi32>
        %and3A_180 = arith.constant 2147483647 : i32
        %and3A_181 = vector.broadcast %and3A_180 : i32 to vector<16xi32>
        %and3A_182 = arith.andi %bitcast_convert_type3A_179, %and3A_181 : vector<16xi32>
        %gt3A_183 = arith.constant 2139095040 : i32
        %gt3A_184 = vector.broadcast %gt3A_183 : i32 to vector<16xi32>
        %gt3A_185 = arith.cmpi sgt, %and3A_182, %gt3A_184 : vector<16xi32>
        %jit3A_186 = arith.constant 1 : i32
        %jit3A_187 = arith.constant 0 : i32
        %broadcast_in_dim3A_188 = vector.broadcast %jit3A_186 : i32 to vector<16xi32>
        %broadcast_in_dim3A_189 = vector.broadcast %jit3A_187 : i32 to vector<16xi32>
        %select_n3A_190 = arith.select %gt3A_185, %broadcast_in_dim3A_188, %broadcast_in_dim3A_189 : vector<16xi1>, vector<16xi32>
        %add3A_191 = arith.addi %scan3A_102, %select_n3A_190 : vector<16xi32>
        %scan3A_192 = arith.constant 1 : i32
        %scan3A_193 = arith.addi %scan3A_98, %scan3A_192 : i32
        %mul3A_194 = arith.constant 4 : i32
        %mul3A_195 = arith.muli %scan3A_193, %mul3A_194 : i32
        %add3A_196 = arith.constant 0 : i32
        %add3A_197 = arith.addi %mul3A_195, %add3A_196 : i32
        %mul3A_198 = arith.constant 16 : i32
        %mul3A_199 = arith.muli %add3A_197, %mul3A_198 : i32
        %get3A_200 = arith.index_cast %scan3A_87 : i32 to index
        %get3A_201 = arith.index_cast %mul3A_199 : i32 to index
        %get3A_202 = tpu.vector_load %arg4[%get3A_200, %get3A_201] {strides = array<i32>} : memref<8x4096xf32, #tpu.memory_space<vmem>>, vector<1x16xf32>,
        %get3A_203 = vector.shape_cast %get3A_202 : vector<1x16xf32> to vector<16xf32>
        %bitcast_convert_type3A_204 = tpu.bitcast %get3A_203 : vector<16xf32> -> vector<16xi32>
        %and3A_205 = arith.constant 2147483647 : i32
        %and3A_206 = vector.broadcast %and3A_205 : i32 to vector<16xi32>
        %and3A_207 = arith.andi %bitcast_convert_type3A_204, %and3A_206 : vector<16xi32>
        %gt3A_208 = arith.constant 2139095040 : i32
        %gt3A_209 = vector.broadcast %gt3A_208 : i32 to vector<16xi32>
        %gt3A_210 = arith.cmpi sgt, %and3A_207, %gt3A_209 : vector<16xi32>
        %jit3A_211 = arith.constant 1 : i32
        %jit3A_212 = arith.constant 0 : i32
        %broadcast_in_dim3A_213 = vector.broadcast %jit3A_211 : i32 to vector<16xi32>
        %broadcast_in_dim3A_214 = vector.broadcast %jit3A_212 : i32 to vector<16xi32>
        %select_n3A_215 = arith.select %gt3A_210, %broadcast_in_dim3A_213, %broadcast_in_dim3A_214 : vector<16xi1>, vector<16xi32>
        %add3A_216 = arith.addi %add3A_122, %select_n3A_215 : vector<16xi32>
        %mul3A_217 = arith.constant 4 : i32
        %mul3A_218 = arith.muli %scan3A_193, %mul3A_217 : i32
        %add3A_219 = arith.constant 1 : i32
        %add3A_220 = arith.addi %mul3A_218, %add3A_219 : i32
        %mul3A_221 = arith.constant 16 : i32
        %mul3A_222 = arith.muli %add3A_220, %mul3A_221 : i32
        %get3A_223 = arith.index_cast %scan3A_87 : i32 to index
        %get3A_224 = arith.index_cast %mul3A_222 : i32 to index
        %get3A_225 = tpu.vector_load %arg4[%get3A_223, %get3A_224] {strides = array<i32>} : memref<8x4096xf32, #tpu.memory_space<vmem>>, vector<1x16xf32>,
        %get3A_226 = vector.shape_cast %get3A_225 : vector<1x16xf32> to vector<16xf32>
        %bitcast_convert_type3A_227 = tpu.bitcast %get3A_226 : vector<16xf32> -> vector<16xi32>
        %and3A_228 = arith.constant 2147483647 : i32
        %and3A_229 = vector.broadcast %and3A_228 : i32 to vector<16xi32>
        %and3A_230 = arith.andi %bitcast_convert_type3A_227, %and3A_229 : vector<16xi32>
        %gt3A_231 = arith.constant 2139095040 : i32
        %gt3A_232 = vector.broadcast %gt3A_231 : i32 to vector<16xi32>
        %gt3A_233 = arith.cmpi sgt, %and3A_230, %gt3A_232 : vector<16xi32>
        %jit3A_234 = arith.constant 1 : i32
        %jit3A_235 = arith.constant 0 : i32
        %broadcast_in_dim3A_236 = vector.broadcast %jit3A_234 : i32 to vector<16xi32>
        %broadcast_in_dim3A_237 = vector.broadcast %jit3A_235 : i32 to vector<16xi32>
        %select_n3A_238 = arith.select %gt3A_233, %broadcast_in_dim3A_236, %broadcast_in_dim3A_237 : vector<16xi1>, vector<16xi32>
        %add3A_239 = arith.addi %add3A_145, %select_n3A_238 : vector<16xi32>
        %mul3A_240 = arith.constant 4 : i32
        %mul3A_241 = arith.muli %scan3A_193, %mul3A_240 : i32
        %add3A_242 = arith.constant 2 : i32
        %add3A_243 = arith.addi %mul3A_241, %add3A_242 : i32
        %mul3A_244 = arith.constant 16 : i32
        %mul3A_245 = arith.muli %add3A_243, %mul3A_244 : i32
        %get3A_246 = arith.index_cast %scan3A_87 : i32 to index
        %get3A_247 = arith.index_cast %mul3A_245 : i32 to index
        %get3A_248 = tpu.vector_load %arg4[%get3A_246, %get3A_247] {strides = array<i32>} : memref<8x4096xf32, #tpu.memory_space<vmem>>, vector<1x16xf32>,
        %get3A_249 = vector.shape_cast %get3A_248 : vector<1x16xf32> to vector<16xf32>
        %bitcast_convert_type3A_250 = tpu.bitcast %get3A_249 : vector<16xf32> -> vector<16xi32>
        %and3A_251 = arith.constant 2147483647 : i32
        %and3A_252 = vector.broadcast %and3A_251 : i32 to vector<16xi32>
        %and3A_253 = arith.andi %bitcast_convert_type3A_250, %and3A_252 : vector<16xi32>
        %gt3A_254 = arith.constant 2139095040 : i32
        %gt3A_255 = vector.broadcast %gt3A_254 : i32 to vector<16xi32>
        %gt3A_256 = arith.cmpi sgt, %and3A_253, %gt3A_255 : vector<16xi32>
        %jit3A_257 = arith.constant 1 : i32
        %jit3A_258 = arith.constant 0 : i32
        %broadcast_in_dim3A_259 = vector.broadcast %jit3A_257 : i32 to vector<16xi32>
        %broadcast_in_dim3A_260 = vector.broadcast %jit3A_258 : i32 to vector<16xi32>
        %select_n3A_261 = arith.select %gt3A_256, %broadcast_in_dim3A_259, %broadcast_in_dim3A_260 : vector<16xi1>, vector<16xi32>
        %add3A_262 = arith.addi %add3A_168, %select_n3A_261 : vector<16xi32>
        %mul3A_263 = arith.constant 4 : i32
        %mul3A_264 = arith.muli %scan3A_193, %mul3A_263 : i32
        %add3A_265 = arith.constant 3 : i32
        %add3A_266 = arith.addi %mul3A_264, %add3A_265 : i32
        %mul3A_267 = arith.constant 16 : i32
        %mul3A_268 = arith.muli %add3A_266, %mul3A_267 : i32
        %get3A_269 = arith.index_cast %scan3A_87 : i32 to index
        %get3A_270 = arith.index_cast %mul3A_268 : i32 to index
        %get3A_271 = tpu.vector_load %arg4[%get3A_269, %get3A_270] {strides = array<i32>} : memref<8x4096xf32, #tpu.memory_space<vmem>>, vector<1x16xf32>,
        %get3A_272 = vector.shape_cast %get3A_271 : vector<1x16xf32> to vector<16xf32>
        %bitcast_convert_type3A_273 = tpu.bitcast %get3A_272 : vector<16xf32> -> vector<16xi32>
        %and3A_274 = arith.constant 2147483647 : i32
        %and3A_275 = vector.broadcast %and3A_274 : i32 to vector<16xi32>
        %and3A_276 = arith.andi %bitcast_convert_type3A_273, %and3A_275 : vector<16xi32>
        %gt3A_277 = arith.constant 2139095040 : i32
        %gt3A_278 = vector.broadcast %gt3A_277 : i32 to vector<16xi32>
        %gt3A_279 = arith.cmpi sgt, %and3A_276, %gt3A_278 : vector<16xi32>
        %jit3A_280 = arith.constant 1 : i32
        %jit3A_281 = arith.constant 0 : i32
        %broadcast_in_dim3A_282 = vector.broadcast %jit3A_280 : i32 to vector<16xi32>
        %broadcast_in_dim3A_283 = vector.broadcast %jit3A_281 : i32 to vector<16xi32>
        %select_n3A_284 = arith.select %gt3A_279, %broadcast_in_dim3A_282, %broadcast_in_dim3A_283 : vector<16xi1>, vector<16xi32>
        %add3A_285 = arith.addi %add3A_191, %select_n3A_284 : vector<16xi32>
        scf.yield %add3A_216, %add3A_239, %add3A_262, %add3A_285 : vector<16xi32>, vector<16xi32>, vector<16xi32>, vector<16xi32>
      }
      %scan3A_97 = arith.constant 64 : i32
      scf.yield %scan3A_96#0, %scan3A_96#1, %scan3A_96#2, %scan3A_96#3 : vector<16xi32>, vector<16xi32>, vector<16xi32>, vector<16xi32>
    }
    %scan3A_56 = arith.constant 8 : i32
    %mul3A_57 = arith.constant 8 : i32
    %mul3A_58 = arith.muli %select_n3A, %mul3A_57 : i32
    %add3A_59 = arith.constant 8192 : i32
    %add3A_60 = arith.addi %mul3A_32, %add3A_59 : i32
    %dma_start3A_61 = tpu.memref_slice %arg2[%mul3A_58, %add3A_60] : memref<128x32768xf32, #tpu.memory_space<hbm>> -> memref<8x4096xf32, #tpu.memory_space<hbm>>
    %dma_start3A_62 = tpu.memref_slice %arg2[%mul3A_58, %add3A_60] : memref<128x32768xf32, #tpu.memory_space<hbm>> -> memref<8x4096xf32, #tpu.memory_space<hbm>>
    tpu.enqueue_dma source(%dma_start3A_62 : memref<8x4096xf32, #tpu.memory_space<hbm>>) target(%arg4 : memref<8x4096xf32, #tpu.memory_space<vmem>>) target_semaphore(%arg7 : memref<!tpu.dma_semaphore, #tpu.memory_space<semaphore_mem>>)
    %dma_wait3A_63 = tpu.memref_slice %arg2[%mul3A_46, %add3A_48] : memref<128x32768xf32, #tpu.memory_space<hbm>> -> memref<8x4096xf32, #tpu.memory_space<hbm>>
    %dma_wait3A_64 = tpu.memref_slice %arg2[%mul3A_46, %add3A_48] : memref<128x32768xf32, #tpu.memory_space<hbm>> -> memref<8x4096xf32, #tpu.memory_space<hbm>>
    tpu.wait_dma2 semaphore(%arg8 : memref<!tpu.dma_semaphore, #tpu.memory_space<semaphore_mem>>) src(%dma_wait3A_64 : memref<8x4096xf32, #tpu.memory_space<hbm>>) dst(%arg5 : memref<8x4096xf32, #tpu.memory_space<vmem>>)
    %scan3A_65 = arith.constant 0 : i32
    %scan3A_66 = arith.constant 8 : i32
    %scan3A_67 = arith.addi %scan3A_65, %scan3A_66 : i32
    %scan3A_68 = arith.constant 1 : i32
    %scan3A_69:4 = scf.for %scan3A_87 = %scan3A_65 to %scan3A_67 step %scan3A_68 iter_args(%scan3A_88 = %scan3A_55#0, %scan3A_89 = %scan3A_55#1, %scan3A_90 = %scan3A_55#2, %scan3A_91 = %scan3A_55#3) -> (vector<16xi32>, vector<16xi32>, vector<16xi32>, vector<16xi32>)  : i32 {
      %scan3A_92 = arith.constant 0 : i32
      %scan3A_93 = arith.constant 64 : i32
      %scan3A_94 = arith.addi %scan3A_92, %scan3A_93 : i32
      %scan3A_95 = arith.constant 2 : i32
      %scan3A_96:4 = scf.for %scan3A_98 = %scan3A_92 to %scan3A_94 step %scan3A_95 iter_args(%scan3A_99 = %scan3A_88, %scan3A_100 = %scan3A_89, %scan3A_101 = %scan3A_90, %scan3A_102 = %scan3A_91) -> (vector<16xi32>, vector<16xi32>, vector<16xi32>, vector<16xi32>)  : i32 {
        %mul3A_103 = arith.constant 4 : i32
        %mul3A_104 = arith.muli %scan3A_98, %mul3A_103 : i32
        %add3A_105 = arith.constant 0 : i32
        %add3A_106 = arith.addi %mul3A_104, %add3A_105 : i32
        %mul3A_107 = arith.constant 16 : i32
        %mul3A_108 = arith.muli %add3A_106, %mul3A_107 : i32
        %get3A = arith.index_cast %scan3A_87 : i32 to index
        %get3A_109 = arith.index_cast %mul3A_108 : i32 to index
        %get3A_110 = tpu.vector_load %arg5[%get3A, %get3A_109] {strides = array<i32>} : memref<8x4096xf32, #tpu.memory_space<vmem>>, vector<1x16xf32>,
        %get3A_111 = vector.shape_cast %get3A_110 : vector<1x16xf32> to vector<16xf32>
        %bitcast_convert_type3A = tpu.bitcast %get3A_111 : vector<16xf32> -> vector<16xi32>
        %and3A_112 = arith.constant 2147483647 : i32
        %and3A_113 = vector.broadcast %and3A_112 : i32 to vector<16xi32>
        %and3A_114 = arith.andi %bitcast_convert_type3A, %and3A_113 : vector<16xi32>
        %gt3A = arith.constant 2139095040 : i32
        %gt3A_115 = vector.broadcast %gt3A : i32 to vector<16xi32>
        %gt3A_116 = arith.cmpi sgt, %and3A_114, %gt3A_115 : vector<16xi32>
        %jit3A_117 = arith.constant 1 : i32
        %jit3A_118 = arith.constant 0 : i32
        %broadcast_in_dim3A_119 = vector.broadcast %jit3A_117 : i32 to vector<16xi32>
        %broadcast_in_dim3A_120 = vector.broadcast %jit3A_118 : i32 to vector<16xi32>
        %select_n3A_121 = arith.select %gt3A_116, %broadcast_in_dim3A_119, %broadcast_in_dim3A_120 : vector<16xi1>, vector<16xi32>
        %add3A_122 = arith.addi %scan3A_99, %select_n3A_121 : vector<16xi32>
        %mul3A_123 = arith.constant 4 : i32
        %mul3A_124 = arith.muli %scan3A_98, %mul3A_123 : i32
        %add3A_125 = arith.constant 1 : i32
        %add3A_126 = arith.addi %mul3A_124, %add3A_125 : i32
        %mul3A_127 = arith.constant 16 : i32
        %mul3A_128 = arith.muli %add3A_126, %mul3A_127 : i32
        %get3A_129 = arith.index_cast %scan3A_87 : i32 to index
        %get3A_130 = arith.index_cast %mul3A_128 : i32 to index
        %get3A_131 = tpu.vector_load %arg5[%get3A_129, %get3A_130] {strides = array<i32>} : memref<8x4096xf32, #tpu.memory_space<vmem>>, vector<1x16xf32>,
        %get3A_132 = vector.shape_cast %get3A_131 : vector<1x16xf32> to vector<16xf32>
        %bitcast_convert_type3A_133 = tpu.bitcast %get3A_132 : vector<16xf32> -> vector<16xi32>
        %and3A_134 = arith.constant 2147483647 : i32
        %and3A_135 = vector.broadcast %and3A_134 : i32 to vector<16xi32>
        %and3A_136 = arith.andi %bitcast_convert_type3A_133, %and3A_135 : vector<16xi32>
        %gt3A_137 = arith.constant 2139095040 : i32
        %gt3A_138 = vector.broadcast %gt3A_137 : i32 to vector<16xi32>
        %gt3A_139 = arith.cmpi sgt, %and3A_136, %gt3A_138 : vector<16xi32>
        %jit3A_140 = arith.constant 1 : i32
        %jit3A_141 = arith.constant 0 : i32
        %broadcast_in_dim3A_142 = vector.broadcast %jit3A_140 : i32 to vector<16xi32>
        %broadcast_in_dim3A_143 = vector.broadcast %jit3A_141 : i32 to vector<16xi32>
        %select_n3A_144 = arith.select %gt3A_139, %broadcast_in_dim3A_142, %broadcast_in_dim3A_143 : vector<16xi1>, vector<16xi32>
        %add3A_145 = arith.addi %scan3A_100, %select_n3A_144 : vector<16xi32>
        %mul3A_146 = arith.constant 4 : i32
        %mul3A_147 = arith.muli %scan3A_98, %mul3A_146 : i32
        %add3A_148 = arith.constant 2 : i32
        %add3A_149 = arith.addi %mul3A_147, %add3A_148 : i32
        %mul3A_150 = arith.constant 16 : i32
        %mul3A_151 = arith.muli %add3A_149, %mul3A_150 : i32
        %get3A_152 = arith.index_cast %scan3A_87 : i32 to index
        %get3A_153 = arith.index_cast %mul3A_151 : i32 to index
        %get3A_154 = tpu.vector_load %arg5[%get3A_152, %get3A_153] {strides = array<i32>} : memref<8x4096xf32, #tpu.memory_space<vmem>>, vector<1x16xf32>,
        %get3A_155 = vector.shape_cast %get3A_154 : vector<1x16xf32> to vector<16xf32>
        %bitcast_convert_type3A_156 = tpu.bitcast %get3A_155 : vector<16xf32> -> vector<16xi32>
        %and3A_157 = arith.constant 2147483647 : i32
        %and3A_158 = vector.broadcast %and3A_157 : i32 to vector<16xi32>
        %and3A_159 = arith.andi %bitcast_convert_type3A_156, %and3A_158 : vector<16xi32>
        %gt3A_160 = arith.constant 2139095040 : i32
        %gt3A_161 = vector.broadcast %gt3A_160 : i32 to vector<16xi32>
        %gt3A_162 = arith.cmpi sgt, %and3A_159, %gt3A_161 : vector<16xi32>
        %jit3A_163 = arith.constant 1 : i32
        %jit3A_164 = arith.constant 0 : i32
        %broadcast_in_dim3A_165 = vector.broadcast %jit3A_163 : i32 to vector<16xi32>
        %broadcast_in_dim3A_166 = vector.broadcast %jit3A_164 : i32 to vector<16xi32>
        %select_n3A_167 = arith.select %gt3A_162, %broadcast_in_dim3A_165, %broadcast_in_dim3A_166 : vector<16xi1>, vector<16xi32>
        %add3A_168 = arith.addi %scan3A_101, %select_n3A_167 : vector<16xi32>
        %mul3A_169 = arith.constant 4 : i32
        %mul3A_170 = arith.muli %scan3A_98, %mul3A_169 : i32
        %add3A_171 = arith.constant 3 : i32
        %add3A_172 = arith.addi %mul3A_170, %add3A_171 : i32
        %mul3A_173 = arith.constant 16 : i32
        %mul3A_174 = arith.muli %add3A_172, %mul3A_173 : i32
        %get3A_175 = arith.index_cast %scan3A_87 : i32 to index
        %get3A_176 = arith.index_cast %mul3A_174 : i32 to index
        %get3A_177 = tpu.vector_load %arg5[%get3A_175, %get3A_176] {strides = array<i32>} : memref<8x4096xf32, #tpu.memory_space<vmem>>, vector<1x16xf32>,
        %get3A_178 = vector.shape_cast %get3A_177 : vector<1x16xf32> to vector<16xf32>
        %bitcast_convert_type3A_179 = tpu.bitcast %get3A_178 : vector<16xf32> -> vector<16xi32>
        %and3A_180 = arith.constant 2147483647 : i32
        %and3A_181 = vector.broadcast %and3A_180 : i32 to vector<16xi32>
        %and3A_182 = arith.andi %bitcast_convert_type3A_179, %and3A_181 : vector<16xi32>
        %gt3A_183 = arith.constant 2139095040 : i32
        %gt3A_184 = vector.broadcast %gt3A_183 : i32 to vector<16xi32>
        %gt3A_185 = arith.cmpi sgt, %and3A_182, %gt3A_184 : vector<16xi32>
        %jit3A_186 = arith.constant 1 : i32
        %jit3A_187 = arith.constant 0 : i32
        %broadcast_in_dim3A_188 = vector.broadcast %jit3A_186 : i32 to vector<16xi32>
        %broadcast_in_dim3A_189 = vector.broadcast %jit3A_187 : i32 to vector<16xi32>
        %select_n3A_190 = arith.select %gt3A_185, %broadcast_in_dim3A_188, %broadcast_in_dim3A_189 : vector<16xi1>, vector<16xi32>
        %add3A_191 = arith.addi %scan3A_102, %select_n3A_190 : vector<16xi32>
        %scan3A_192 = arith.constant 1 : i32
        %scan3A_193 = arith.addi %scan3A_98, %scan3A_192 : i32
        %mul3A_194 = arith.constant 4 : i32
        %mul3A_195 = arith.muli %scan3A_193, %mul3A_194 : i32
        %add3A_196 = arith.constant 0 : i32
        %add3A_197 = arith.addi %mul3A_195, %add3A_196 : i32
        %mul3A_198 = arith.constant 16 : i32
        %mul3A_199 = arith.muli %add3A_197, %mul3A_198 : i32
        %get3A_200 = arith.index_cast %scan3A_87 : i32 to index
        %get3A_201 = arith.index_cast %mul3A_199 : i32 to index
        %get3A_202 = tpu.vector_load %arg5[%get3A_200, %get3A_201] {strides = array<i32>} : memref<8x4096xf32, #tpu.memory_space<vmem>>, vector<1x16xf32>,
        %get3A_203 = vector.shape_cast %get3A_202 : vector<1x16xf32> to vector<16xf32>
        %bitcast_convert_type3A_204 = tpu.bitcast %get3A_203 : vector<16xf32> -> vector<16xi32>
        %and3A_205 = arith.constant 2147483647 : i32
        %and3A_206 = vector.broadcast %and3A_205 : i32 to vector<16xi32>
        %and3A_207 = arith.andi %bitcast_convert_type3A_204, %and3A_206 : vector<16xi32>
        %gt3A_208 = arith.constant 2139095040 : i32
        %gt3A_209 = vector.broadcast %gt3A_208 : i32 to vector<16xi32>
        %gt3A_210 = arith.cmpi sgt, %and3A_207, %gt3A_209 : vector<16xi32>
        %jit3A_211 = arith.constant 1 : i32
        %jit3A_212 = arith.constant 0 : i32
        %broadcast_in_dim3A_213 = vector.broadcast %jit3A_211 : i32 to vector<16xi32>
        %broadcast_in_dim3A_214 = vector.broadcast %jit3A_212 : i32 to vector<16xi32>
        %select_n3A_215 = arith.select %gt3A_210, %broadcast_in_dim3A_213, %broadcast_in_dim3A_214 : vector<16xi1>, vector<16xi32>
        %add3A_216 = arith.addi %add3A_122, %select_n3A_215 : vector<16xi32>
        %mul3A_217 = arith.constant 4 : i32
        %mul3A_218 = arith.muli %scan3A_193, %mul3A_217 : i32
        %add3A_219 = arith.constant 1 : i32
        %add3A_220 = arith.addi %mul3A_218, %add3A_219 : i32
        %mul3A_221 = arith.constant 16 : i32
        %mul3A_222 = arith.muli %add3A_220, %mul3A_221 : i32
        %get3A_223 = arith.index_cast %scan3A_87 : i32 to index
        %get3A_224 = arith.index_cast %mul3A_222 : i32 to index
        %get3A_225 = tpu.vector_load %arg5[%get3A_223, %get3A_224] {strides = array<i32>} : memref<8x4096xf32, #tpu.memory_space<vmem>>, vector<1x16xf32>,
        %get3A_226 = vector.shape_cast %get3A_225 : vector<1x16xf32> to vector<16xf32>
        %bitcast_convert_type3A_227 = tpu.bitcast %get3A_226 : vector<16xf32> -> vector<16xi32>
        %and3A_228 = arith.constant 2147483647 : i32
        %and3A_229 = vector.broadcast %and3A_228 : i32 to vector<16xi32>
        %and3A_230 = arith.andi %bitcast_convert_type3A_227, %and3A_229 : vector<16xi32>
        %gt3A_231 = arith.constant 2139095040 : i32
        %gt3A_232 = vector.broadcast %gt3A_231 : i32 to vector<16xi32>
        %gt3A_233 = arith.cmpi sgt, %and3A_230, %gt3A_232 : vector<16xi32>
        %jit3A_234 = arith.constant 1 : i32
        %jit3A_235 = arith.constant 0 : i32
        %broadcast_in_dim3A_236 = vector.broadcast %jit3A_234 : i32 to vector<16xi32>
        %broadcast_in_dim3A_237 = vector.broadcast %jit3A_235 : i32 to vector<16xi32>
        %select_n3A_238 = arith.select %gt3A_233, %broadcast_in_dim3A_236, %broadcast_in_dim3A_237 : vector<16xi1>, vector<16xi32>
        %add3A_239 = arith.addi %add3A_145, %select_n3A_238 : vector<16xi32>
        %mul3A_240 = arith.constant 4 : i32
        %mul3A_241 = arith.muli %scan3A_193, %mul3A_240 : i32
        %add3A_242 = arith.constant 2 : i32
        %add3A_243 = arith.addi %mul3A_241, %add3A_242 : i32
        %mul3A_244 = arith.constant 16 : i32
        %mul3A_245 = arith.muli %add3A_243, %mul3A_244 : i32
        %get3A_246 = arith.index_cast %scan3A_87 : i32 to index
        %get3A_247 = arith.index_cast %mul3A_245 : i32 to index
        %get3A_248 = tpu.vector_load %arg5[%get3A_246, %get3A_247] {strides = array<i32>} : memref<8x4096xf32, #tpu.memory_space<vmem>>, vector<1x16xf32>,
        %get3A_249 = vector.shape_cast %get3A_248 : vector<1x16xf32> to vector<16xf32>
        %bitcast_convert_type3A_250 = tpu.bitcast %get3A_249 : vector<16xf32> -> vector<16xi32>
        %and3A_251 = arith.constant 2147483647 : i32
        %and3A_252 = vector.broadcast %and3A_251 : i32 to vector<16xi32>
        %and3A_253 = arith.andi %bitcast_convert_type3A_250, %and3A_252 : vector<16xi32>
        %gt3A_254 = arith.constant 2139095040 : i32
        %gt3A_255 = vector.broadcast %gt3A_254 : i32 to vector<16xi32>
        %gt3A_256 = arith.cmpi sgt, %and3A_253, %gt3A_255 : vector<16xi32>
        %jit3A_257 = arith.constant 1 : i32
        %jit3A_258 = arith.constant 0 : i32
        %broadcast_in_dim3A_259 = vector.broadcast %jit3A_257 : i32 to vector<16xi32>
        %broadcast_in_dim3A_260 = vector.broadcast %jit3A_258 : i32 to vector<16xi32>
        %select_n3A_261 = arith.select %gt3A_256, %broadcast_in_dim3A_259, %broadcast_in_dim3A_260 : vector<16xi1>, vector<16xi32>
        %add3A_262 = arith.addi %add3A_168, %select_n3A_261 : vector<16xi32>
        %mul3A_263 = arith.constant 4 : i32
        %mul3A_264 = arith.muli %scan3A_193, %mul3A_263 : i32
        %add3A_265 = arith.constant 3 : i32
        %add3A_266 = arith.addi %mul3A_264, %add3A_265 : i32
        %mul3A_267 = arith.constant 16 : i32
        %mul3A_268 = arith.muli %add3A_266, %mul3A_267 : i32
        %get3A_269 = arith.index_cast %scan3A_87 : i32 to index
        %get3A_270 = arith.index_cast %mul3A_268 : i32 to index
        %get3A_271 = tpu.vector_load %arg5[%get3A_269, %get3A_270] {strides = array<i32>} : memref<8x4096xf32, #tpu.memory_space<vmem>>, vector<1x16xf32>,
        %get3A_272 = vector.shape_cast %get3A_271 : vector<1x16xf32> to vector<16xf32>
        %bitcast_convert_type3A_273 = tpu.bitcast %get3A_272 : vector<16xf32> -> vector<16xi32>
        %and3A_274 = arith.constant 2147483647 : i32
        %and3A_275 = vector.broadcast %and3A_274 : i32 to vector<16xi32>
        %and3A_276 = arith.andi %bitcast_convert_type3A_273, %and3A_275 : vector<16xi32>
        %gt3A_277 = arith.constant 2139095040 : i32
        %gt3A_278 = vector.broadcast %gt3A_277 : i32 to vector<16xi32>
        %gt3A_279 = arith.cmpi sgt, %and3A_276, %gt3A_278 : vector<16xi32>
        %jit3A_280 = arith.constant 1 : i32
        %jit3A_281 = arith.constant 0 : i32
        %broadcast_in_dim3A_282 = vector.broadcast %jit3A_280 : i32 to vector<16xi32>
        %broadcast_in_dim3A_283 = vector.broadcast %jit3A_281 : i32 to vector<16xi32>
        %select_n3A_284 = arith.select %gt3A_279, %broadcast_in_dim3A_282, %broadcast_in_dim3A_283 : vector<16xi1>, vector<16xi32>
        %add3A_285 = arith.addi %add3A_191, %select_n3A_284 : vector<16xi32>
        scf.yield %add3A_216, %add3A_239, %add3A_262, %add3A_285 : vector<16xi32>, vector<16xi32>, vector<16xi32>, vector<16xi32>
      }
      %scan3A_97 = arith.constant 64 : i32
      scf.yield %scan3A_96#0, %scan3A_96#1, %scan3A_96#2, %scan3A_96#3 : vector<16xi32>, vector<16xi32>, vector<16xi32>, vector<16xi32>
    }
    %scan3A_70 = arith.constant 8 : i32
    %dma_wait3A_71 = tpu.memref_slice %arg2[%mul3A_58, %add3A_60] : memref<128x32768xf32, #tpu.memory_space<hbm>> -> memref<8x4096xf32, #tpu.memory_space<hbm>>
    %dma_wait3A_72 = tpu.memref_slice %arg2[%mul3A_58, %add3A_60] : memref<128x32768xf32, #tpu.memory_space<hbm>> -> memref<8x4096xf32, #tpu.memory_space<hbm>>
    tpu.wait_dma2 semaphore(%arg7 : memref<!tpu.dma_semaphore, #tpu.memory_space<semaphore_mem>>) src(%dma_wait3A_72 : memref<8x4096xf32, #tpu.memory_space<hbm>>) dst(%arg4 : memref<8x4096xf32, #tpu.memory_space<vmem>>)
    %scan3A_73 = arith.constant 0 : i32
    %scan3A_74 = arith.constant 8 : i32
    %scan3A_75 = arith.addi %scan3A_73, %scan3A_74 : i32
    %scan3A_76 = arith.constant 1 : i32
    %scan3A_77:4 = scf.for %scan3A_87 = %scan3A_73 to %scan3A_75 step %scan3A_76 iter_args(%scan3A_88 = %scan3A_69#0, %scan3A_89 = %scan3A_69#1, %scan3A_90 = %scan3A_69#2, %scan3A_91 = %scan3A_69#3) -> (vector<16xi32>, vector<16xi32>, vector<16xi32>, vector<16xi32>)  : i32 {
      %scan3A_92 = arith.constant 0 : i32
      %scan3A_93 = arith.constant 64 : i32
      %scan3A_94 = arith.addi %scan3A_92, %scan3A_93 : i32
      %scan3A_95 = arith.constant 2 : i32
      %scan3A_96:4 = scf.for %scan3A_98 = %scan3A_92 to %scan3A_94 step %scan3A_95 iter_args(%scan3A_99 = %scan3A_88, %scan3A_100 = %scan3A_89, %scan3A_101 = %scan3A_90, %scan3A_102 = %scan3A_91) -> (vector<16xi32>, vector<16xi32>, vector<16xi32>, vector<16xi32>)  : i32 {
        %mul3A_103 = arith.constant 4 : i32
        %mul3A_104 = arith.muli %scan3A_98, %mul3A_103 : i32
        %add3A_105 = arith.constant 0 : i32
        %add3A_106 = arith.addi %mul3A_104, %add3A_105 : i32
        %mul3A_107 = arith.constant 16 : i32
        %mul3A_108 = arith.muli %add3A_106, %mul3A_107 : i32
        %get3A = arith.index_cast %scan3A_87 : i32 to index
        %get3A_109 = arith.index_cast %mul3A_108 : i32 to index
        %get3A_110 = tpu.vector_load %arg4[%get3A, %get3A_109] {strides = array<i32>} : memref<8x4096xf32, #tpu.memory_space<vmem>>, vector<1x16xf32>,
        %get3A_111 = vector.shape_cast %get3A_110 : vector<1x16xf32> to vector<16xf32>
        %bitcast_convert_type3A = tpu.bitcast %get3A_111 : vector<16xf32> -> vector<16xi32>
        %and3A_112 = arith.constant 2147483647 : i32
        %and3A_113 = vector.broadcast %and3A_112 : i32 to vector<16xi32>
        %and3A_114 = arith.andi %bitcast_convert_type3A, %and3A_113 : vector<16xi32>
        %gt3A = arith.constant 2139095040 : i32
        %gt3A_115 = vector.broadcast %gt3A : i32 to vector<16xi32>
        %gt3A_116 = arith.cmpi sgt, %and3A_114, %gt3A_115 : vector<16xi32>
        %jit3A_117 = arith.constant 1 : i32
        %jit3A_118 = arith.constant 0 : i32
        %broadcast_in_dim3A_119 = vector.broadcast %jit3A_117 : i32 to vector<16xi32>
        %broadcast_in_dim3A_120 = vector.broadcast %jit3A_118 : i32 to vector<16xi32>
        %select_n3A_121 = arith.select %gt3A_116, %broadcast_in_dim3A_119, %broadcast_in_dim3A_120 : vector<16xi1>, vector<16xi32>
        %add3A_122 = arith.addi %scan3A_99, %select_n3A_121 : vector<16xi32>
        %mul3A_123 = arith.constant 4 : i32
        %mul3A_124 = arith.muli %scan3A_98, %mul3A_123 : i32
        %add3A_125 = arith.constant 1 : i32
        %add3A_126 = arith.addi %mul3A_124, %add3A_125 : i32
        %mul3A_127 = arith.constant 16 : i32
        %mul3A_128 = arith.muli %add3A_126, %mul3A_127 : i32
        %get3A_129 = arith.index_cast %scan3A_87 : i32 to index
        %get3A_130 = arith.index_cast %mul3A_128 : i32 to index
        %get3A_131 = tpu.vector_load %arg4[%get3A_129, %get3A_130] {strides = array<i32>} : memref<8x4096xf32, #tpu.memory_space<vmem>>, vector<1x16xf32>,
        %get3A_132 = vector.shape_cast %get3A_131 : vector<1x16xf32> to vector<16xf32>
        %bitcast_convert_type3A_133 = tpu.bitcast %get3A_132 : vector<16xf32> -> vector<16xi32>
        %and3A_134 = arith.constant 2147483647 : i32
        %and3A_135 = vector.broadcast %and3A_134 : i32 to vector<16xi32>
        %and3A_136 = arith.andi %bitcast_convert_type3A_133, %and3A_135 : vector<16xi32>
        %gt3A_137 = arith.constant 2139095040 : i32
        %gt3A_138 = vector.broadcast %gt3A_137 : i32 to vector<16xi32>
        %gt3A_139 = arith.cmpi sgt, %and3A_136, %gt3A_138 : vector<16xi32>
        %jit3A_140 = arith.constant 1 : i32
        %jit3A_141 = arith.constant 0 : i32
        %broadcast_in_dim3A_142 = vector.broadcast %jit3A_140 : i32 to vector<16xi32>
        %broadcast_in_dim3A_143 = vector.broadcast %jit3A_141 : i32 to vector<16xi32>
        %select_n3A_144 = arith.select %gt3A_139, %broadcast_in_dim3A_142, %broadcast_in_dim3A_143 : vector<16xi1>, vector<16xi32>
        %add3A_145 = arith.addi %scan3A_100, %select_n3A_144 : vector<16xi32>
        %mul3A_146 = arith.constant 4 : i32
        %mul3A_147 = arith.muli %scan3A_98, %mul3A_146 : i32
        %add3A_148 = arith.constant 2 : i32
        %add3A_149 = arith.addi %mul3A_147, %add3A_148 : i32
        %mul3A_150 = arith.constant 16 : i32
        %mul3A_151 = arith.muli %add3A_149, %mul3A_150 : i32
        %get3A_152 = arith.index_cast %scan3A_87 : i32 to index
        %get3A_153 = arith.index_cast %mul3A_151 : i32 to index
        %get3A_154 = tpu.vector_load %arg4[%get3A_152, %get3A_153] {strides = array<i32>} : memref<8x4096xf32, #tpu.memory_space<vmem>>, vector<1x16xf32>,
        %get3A_155 = vector.shape_cast %get3A_154 : vector<1x16xf32> to vector<16xf32>
        %bitcast_convert_type3A_156 = tpu.bitcast %get3A_155 : vector<16xf32> -> vector<16xi32>
        %and3A_157 = arith.constant 2147483647 : i32
        %and3A_158 = vector.broadcast %and3A_157 : i32 to vector<16xi32>
        %and3A_159 = arith.andi %bitcast_convert_type3A_156, %and3A_158 : vector<16xi32>
        %gt3A_160 = arith.constant 2139095040 : i32
        %gt3A_161 = vector.broadcast %gt3A_160 : i32 to vector<16xi32>
        %gt3A_162 = arith.cmpi sgt, %and3A_159, %gt3A_161 : vector<16xi32>
        %jit3A_163 = arith.constant 1 : i32
        %jit3A_164 = arith.constant 0 : i32
        %broadcast_in_dim3A_165 = vector.broadcast %jit3A_163 : i32 to vector<16xi32>
        %broadcast_in_dim3A_166 = vector.broadcast %jit3A_164 : i32 to vector<16xi32>
        %select_n3A_167 = arith.select %gt3A_162, %broadcast_in_dim3A_165, %broadcast_in_dim3A_166 : vector<16xi1>, vector<16xi32>
        %add3A_168 = arith.addi %scan3A_101, %select_n3A_167 : vector<16xi32>
        %mul3A_169 = arith.constant 4 : i32
        %mul3A_170 = arith.muli %scan3A_98, %mul3A_169 : i32
        %add3A_171 = arith.constant 3 : i32
        %add3A_172 = arith.addi %mul3A_170, %add3A_171 : i32
        %mul3A_173 = arith.constant 16 : i32
        %mul3A_174 = arith.muli %add3A_172, %mul3A_173 : i32
        %get3A_175 = arith.index_cast %scan3A_87 : i32 to index
        %get3A_176 = arith.index_cast %mul3A_174 : i32 to index
        %get3A_177 = tpu.vector_load %arg4[%get3A_175, %get3A_176] {strides = array<i32>} : memref<8x4096xf32, #tpu.memory_space<vmem>>, vector<1x16xf32>,
        %get3A_178 = vector.shape_cast %get3A_177 : vector<1x16xf32> to vector<16xf32>
        %bitcast_convert_type3A_179 = tpu.bitcast %get3A_178 : vector<16xf32> -> vector<16xi32>
        %and3A_180 = arith.constant 2147483647 : i32
        %and3A_181 = vector.broadcast %and3A_180 : i32 to vector<16xi32>
        %and3A_182 = arith.andi %bitcast_convert_type3A_179, %and3A_181 : vector<16xi32>
        %gt3A_183 = arith.constant 2139095040 : i32
        %gt3A_184 = vector.broadcast %gt3A_183 : i32 to vector<16xi32>
        %gt3A_185 = arith.cmpi sgt, %and3A_182, %gt3A_184 : vector<16xi32>
        %jit3A_186 = arith.constant 1 : i32
        %jit3A_187 = arith.constant 0 : i32
        %broadcast_in_dim3A_188 = vector.broadcast %jit3A_186 : i32 to vector<16xi32>
        %broadcast_in_dim3A_189 = vector.broadcast %jit3A_187 : i32 to vector<16xi32>
        %select_n3A_190 = arith.select %gt3A_185, %broadcast_in_dim3A_188, %broadcast_in_dim3A_189 : vector<16xi1>, vector<16xi32>
        %add3A_191 = arith.addi %scan3A_102, %select_n3A_190 : vector<16xi32>
        %scan3A_192 = arith.constant 1 : i32
        %scan3A_193 = arith.addi %scan3A_98, %scan3A_192 : i32
        %mul3A_194 = arith.constant 4 : i32
        %mul3A_195 = arith.muli %scan3A_193, %mul3A_194 : i32
        %add3A_196 = arith.constant 0 : i32
        %add3A_197 = arith.addi %mul3A_195, %add3A_196 : i32
        %mul3A_198 = arith.constant 16 : i32
        %mul3A_199 = arith.muli %add3A_197, %mul3A_198 : i32
        %get3A_200 = arith.index_cast %scan3A_87 : i32 to index
        %get3A_201 = arith.index_cast %mul3A_199 : i32 to index
        %get3A_202 = tpu.vector_load %arg4[%get3A_200, %get3A_201] {strides = array<i32>} : memref<8x4096xf32, #tpu.memory_space<vmem>>, vector<1x16xf32>,
        %get3A_203 = vector.shape_cast %get3A_202 : vector<1x16xf32> to vector<16xf32>
        %bitcast_convert_type3A_204 = tpu.bitcast %get3A_203 : vector<16xf32> -> vector<16xi32>
        %and3A_205 = arith.constant 2147483647 : i32
        %and3A_206 = vector.broadcast %and3A_205 : i32 to vector<16xi32>
        %and3A_207 = arith.andi %bitcast_convert_type3A_204, %and3A_206 : vector<16xi32>
        %gt3A_208 = arith.constant 2139095040 : i32
        %gt3A_209 = vector.broadcast %gt3A_208 : i32 to vector<16xi32>
        %gt3A_210 = arith.cmpi sgt, %and3A_207, %gt3A_209 : vector<16xi32>
        %jit3A_211 = arith.constant 1 : i32
        %jit3A_212 = arith.constant 0 : i32
        %broadcast_in_dim3A_213 = vector.broadcast %jit3A_211 : i32 to vector<16xi32>
        %broadcast_in_dim3A_214 = vector.broadcast %jit3A_212 : i32 to vector<16xi32>
        %select_n3A_215 = arith.select %gt3A_210, %broadcast_in_dim3A_213, %broadcast_in_dim3A_214 : vector<16xi1>, vector<16xi32>
        %add3A_216 = arith.addi %add3A_122, %select_n3A_215 : vector<16xi32>
        %mul3A_217 = arith.constant 4 : i32
        %mul3A_218 = arith.muli %scan3A_193, %mul3A_217 : i32
        %add3A_219 = arith.constant 1 : i32
        %add3A_220 = arith.addi %mul3A_218, %add3A_219 : i32
        %mul3A_221 = arith.constant 16 : i32
        %mul3A_222 = arith.muli %add3A_220, %mul3A_221 : i32
        %get3A_223 = arith.index_cast %scan3A_87 : i32 to index
        %get3A_224 = arith.index_cast %mul3A_222 : i32 to index
        %get3A_225 = tpu.vector_load %arg4[%get3A_223, %get3A_224] {strides = array<i32>} : memref<8x4096xf32, #tpu.memory_space<vmem>>, vector<1x16xf32>,
        %get3A_226 = vector.shape_cast %get3A_225 : vector<1x16xf32> to vector<16xf32>
        %bitcast_convert_type3A_227 = tpu.bitcast %get3A_226 : vector<16xf32> -> vector<16xi32>
        %and3A_228 = arith.constant 2147483647 : i32
        %and3A_229 = vector.broadcast %and3A_228 : i32 to vector<16xi32>
        %and3A_230 = arith.andi %bitcast_convert_type3A_227, %and3A_229 : vector<16xi32>
        %gt3A_231 = arith.constant 2139095040 : i32
        %gt3A_232 = vector.broadcast %gt3A_231 : i32 to vector<16xi32>
        %gt3A_233 = arith.cmpi sgt, %and3A_230, %gt3A_232 : vector<16xi32>
        %jit3A_234 = arith.constant 1 : i32
        %jit3A_235 = arith.constant 0 : i32
        %broadcast_in_dim3A_236 = vector.broadcast %jit3A_234 : i32 to vector<16xi32>
        %broadcast_in_dim3A_237 = vector.broadcast %jit3A_235 : i32 to vector<16xi32>
        %select_n3A_238 = arith.select %gt3A_233, %broadcast_in_dim3A_236, %broadcast_in_dim3A_237 : vector<16xi1>, vector<16xi32>
        %add3A_239 = arith.addi %add3A_145, %select_n3A_238 : vector<16xi32>
        %mul3A_240 = arith.constant 4 : i32
        %mul3A_241 = arith.muli %scan3A_193, %mul3A_240 : i32
        %add3A_242 = arith.constant 2 : i32
        %add3A_243 = arith.addi %mul3A_241, %add3A_242 : i32
        %mul3A_244 = arith.constant 16 : i32
        %mul3A_245 = arith.muli %add3A_243, %mul3A_244 : i32
        %get3A_246 = arith.index_cast %scan3A_87 : i32 to index
        %get3A_247 = arith.index_cast %mul3A_245 : i32 to index
        %get3A_248 = tpu.vector_load %arg4[%get3A_246, %get3A_247] {strides = array<i32>} : memref<8x4096xf32, #tpu.memory_space<vmem>>, vector<1x16xf32>,
        %get3A_249 = vector.shape_cast %get3A_248 : vector<1x16xf32> to vector<16xf32>
        %bitcast_convert_type3A_250 = tpu.bitcast %get3A_249 : vector<16xf32> -> vector<16xi32>
        %and3A_251 = arith.constant 2147483647 : i32
        %and3A_252 = vector.broadcast %and3A_251 : i32 to vector<16xi32>
        %and3A_253 = arith.andi %bitcast_convert_type3A_250, %and3A_252 : vector<16xi32>
        %gt3A_254 = arith.constant 2139095040 : i32
        %gt3A_255 = vector.broadcast %gt3A_254 : i32 to vector<16xi32>
        %gt3A_256 = arith.cmpi sgt, %and3A_253, %gt3A_255 : vector<16xi32>
        %jit3A_257 = arith.constant 1 : i32
        %jit3A_258 = arith.constant 0 : i32
        %broadcast_in_dim3A_259 = vector.broadcast %jit3A_257 : i32 to vector<16xi32>
        %broadcast_in_dim3A_260 = vector.broadcast %jit3A_258 : i32 to vector<16xi32>
        %select_n3A_261 = arith.select %gt3A_256, %broadcast_in_dim3A_259, %broadcast_in_dim3A_260 : vector<16xi1>, vector<16xi32>
        %add3A_262 = arith.addi %add3A_168, %select_n3A_261 : vector<16xi32>
        %mul3A_263 = arith.constant 4 : i32
        %mul3A_264 = arith.muli %scan3A_193, %mul3A_263 : i32
        %add3A_265 = arith.constant 3 : i32
        %add3A_266 = arith.addi %mul3A_264, %add3A_265 : i32
        %mul3A_267 = arith.constant 16 : i32
        %mul3A_268 = arith.muli %add3A_266, %mul3A_267 : i32
        %get3A_269 = arith.index_cast %scan3A_87 : i32 to index
        %get3A_270 = arith.index_cast %mul3A_268 : i32 to index
        %get3A_271 = tpu.vector_load %arg4[%get3A_269, %get3A_270] {strides = array<i32>} : memref<8x4096xf32, #tpu.memory_space<vmem>>, vector<1x16xf32>,
        %get3A_272 = vector.shape_cast %get3A_271 : vector<1x16xf32> to vector<16xf32>
        %bitcast_convert_type3A_273 = tpu.bitcast %get3A_272 : vector<16xf32> -> vector<16xi32>
        %and3A_274 = arith.constant 2147483647 : i32
        %and3A_275 = vector.broadcast %and3A_274 : i32 to vector<16xi32>
        %and3A_276 = arith.andi %bitcast_convert_type3A_273, %and3A_275 : vector<16xi32>
        %gt3A_277 = arith.constant 2139095040 : i32
        %gt3A_278 = vector.broadcast %gt3A_277 : i32 to vector<16xi32>
        %gt3A_279 = arith.cmpi sgt, %and3A_276, %gt3A_278 : vector<16xi32>
        %jit3A_280 = arith.constant 1 : i32
        %jit3A_281 = arith.constant 0 : i32
        %broadcast_in_dim3A_282 = vector.broadcast %jit3A_280 : i32 to vector<16xi32>
        %broadcast_in_dim3A_283 = vector.broadcast %jit3A_281 : i32 to vector<16xi32>
        %select_n3A_284 = arith.select %gt3A_279, %broadcast_in_dim3A_282, %broadcast_in_dim3A_283 : vector<16xi1>, vector<16xi32>
        %add3A_285 = arith.addi %add3A_191, %select_n3A_284 : vector<16xi32>
        scf.yield %add3A_216, %add3A_239, %add3A_262, %add3A_285 : vector<16xi32>, vector<16xi32>, vector<16xi32>, vector<16xi32>
      }
      %scan3A_97 = arith.constant 64 : i32
      scf.yield %scan3A_96#0, %scan3A_96#1, %scan3A_96#2, %scan3A_96#3 : vector<16xi32>, vector<16xi32>, vector<16xi32>, vector<16xi32>
    }
    %scan3A_78 = arith.constant 8 : i32
    %add3A_79 = arith.addi %scan3A_77#0, %scan3A_77#1 : vector<16xi32>
    %add3A_80 = arith.addi %scan3A_77#2, %scan3A_77#3 : vector<16xi32>
    %add3A_81 = arith.addi %add3A_79, %add3A_80 : vector<16xi32>
    %convert_element_type3A = arith.sitofp %add3A_81 : vector<16xi32> to vector<16xf32>
    %swap3A = arith.constant 0 : index
    %swap3A_82 = tpu.vector_load %arg6[%swap3A] {strides = array<i32>} : memref<16xf32, #tpu.memory_space<vmem>>, vector<16xf32>,
    %swap3A_83 = vector.shape_cast %swap3A_82 : vector<16xf32> to vector<16xf32>
    %swap3A_84 = vector.shape_cast %convert_element_type3A : vector<16xf32> to vector<16xf32>
    tpu.vector_store %arg6[%swap3A], %swap3A_84 {strides = array<i32>} : memref<16xf32, #tpu.memory_space<vmem>>, vector<16xf32>,
    %mul3A_85 = arith.constant 16 : i32
    %mul3A_86 = arith.muli %add3A, %mul3A_85 : i32
    "tpu.region"() ({
      %run_scoped3A = tpu.sem_alloc : memref<!tpu.dma_semaphore, #tpu.memory_space<semaphore_mem>>
      %dma_start3A_87 = tpu.memref_slice %arg3[%mul3A_86] : memref<512xf32, #tpu.memory_space<hbm>> -> memref<16xf32, #tpu.memory_space<hbm>>
      %dma_start3A_88 = tpu.memref_slice %arg3[%mul3A_86] : memref<512xf32, #tpu.memory_space<hbm>> -> memref<16xf32, #tpu.memory_space<hbm>>
      tpu.enqueue_dma source(%arg6 : memref<16xf32, #tpu.memory_space<vmem>>) target(%dma_start3A_88 : memref<16xf32, #tpu.memory_space<hbm>>) target_semaphore(%run_scoped3A : memref<!tpu.dma_semaphore, #tpu.memory_space<semaphore_mem>>)
      %dma_wait3A_89 = tpu.memref_slice %arg3[%mul3A_86] : memref<512xf32, #tpu.memory_space<hbm>> -> memref<16xf32, #tpu.memory_space<hbm>>
      %dma_wait3A_90 = tpu.memref_slice %arg3[%mul3A_86] : memref<512xf32, #tpu.memory_space<hbm>> -> memref<16xf32, #tpu.memory_space<hbm>>
      tpu.wait_dma2 semaphore(%run_scoped3A : memref<!tpu.dma_semaphore, #tpu.memory_space<semaphore_mem>>) src(%arg6 : memref<16xf32, #tpu.memory_space<vmem>>) dst(%dma_wait3A_90 : memref<16xf32, #tpu.memory_space<hbm>>)
      tpu.yield
    }) : () -> ()
    return
  }
}

module attributes {stable_mosaic.version = 14 : i64} {
  func.func @_tc_dense_body(%arg0: i32, %arg1: memref<128x1024xf32, #tpu.memory_space<vmem>>, %arg2: memref<128x1024xf32, #tpu.memory_space<vmem>>, %arg3: memref<128x1024xf32, #tpu.memory_space<vmem>>, %arg4: memref<128x1024xf32, #tpu.memory_space<vmem>>, %arg5: memref<128x1024xf32, #tpu.memory_space<vmem>>, %arg6: memref<2xf32, #tpu.memory_space<smem>>, %arg7: memref<2xf32, #tpu.memory_space<smem>>) attributes {dimension_semantics = [#tpu.dimension_semantics<arbitrary>], iteration_bounds = array<i64: 8>, scalar_prefetch = 0 : i64, scratch_operands = 1 : i64, tpu.core_type = #tpu.core_type<tc>, window_params = [{transform_indices = @transform_0, window_bounds = array<i64: 128, 1024>}, {transform_indices = @transform_1, window_bounds = array<i64: 128, 1024>}, {transform_indices = @transform_2, window_bounds = array<i64: 128, 1024>}, {transform_indices = @transform_3, window_bounds = array<i64: 128, 1024>}, {transform_indices = @transform_4, window_bounds = array<i64: 128, 1024>}, {transform_indices = @transform_5, window_bounds = array<i64: 2>}]} {
    %eq3A = arith.constant 0 : i32
    %eq3A_0 = arith.cmpi eq, %arg0, %eq3A : i32
    %convert_element_type3A = arith.extui %eq3A_0 : i1 to i32
    %cond3A = arith.constant 0 : i32
    %cond3A_1 = arith.cmpi ne, %convert_element_type3A, %cond3A : i32
    scf.if %cond3A_1 {
      %swap3A_123 = arith.constant 0.000000e+00 : f32
      %swap3A_124 = arith.constant 0 : index
      %swap3A_125 = memref.load %arg7[%swap3A_124] : memref<2xf32, #tpu.memory_space<smem>>
      memref.store %swap3A_123, %arg7[%swap3A_124] : memref<2xf32, #tpu.memory_space<smem>>
      %swap3A_126 = arith.constant 0.000000e+00 : f32
      %swap3A_127 = arith.constant 1 : index
      %swap3A_128 = memref.load %arg7[%swap3A_127] : memref<2xf32, #tpu.memory_space<smem>>
      memref.store %swap3A_126, %arg7[%swap3A_127] : memref<2xf32, #tpu.memory_space<smem>>
    } else {
    }
    %get3A = arith.constant 0 : index
    %get3A_2 = arith.constant 0 : index
    %get3A_3 = vector.load %arg1[%get3A, %get3A_2] : memref<128x1024xf32, #tpu.memory_space<vmem>>, vector<128x1024xf32>
    %mul3A = arith.constant 0.000000e+00 : f32
    %mul3A_4 = vector.broadcast %mul3A : f32 to vector<128x1024xf32>
    %mul3A_5 = arith.mulf %mul3A_4, %get3A_3 : vector<128x1024xf32>
    %reduce_sum3A = vector.shape_cast %mul3A_5 : vector<128x1024xf32> to vector<1x128x1024xf32>
    %reduce_sum3A_6 = arith.constant dense<0.000000e+00> : vector<1xf32>
    %reduce_sum3A_7 = vector.multi_reduction <add>, %reduce_sum3A, %reduce_sum3A_6 [1, 2] : vector<1x128x1024xf32> to vector<1xf32>
    %reduce_sum3A_8 = vector.shape_cast %reduce_sum3A_7 : vector<1xf32> to vector<1x1x1xf32>
    %reduce_sum3A_9 = vector.extract %reduce_sum3A_8[0, 0, 0] : f32 from vector<1x1x1xf32>
    %add3A = arith.constant 0.000000e+00 : f32
    %add3A_10 = arith.addf %add3A, %reduce_sum3A_9 : f32
    %neg3A = arith.constant 0.000000e+00 : f32
    %neg3A_11 = vector.broadcast %neg3A : f32 to vector<128x1024xf32>
    %neg3A_12 = arith.subf %neg3A_11, %get3A_3 : vector<128x1024xf32>
    %mul3A_13 = arith.constant 0.000000e+00 : f32
    %mul3A_14 = vector.broadcast %mul3A_13 : f32 to vector<128x1024xf32>
    %mul3A_15 = arith.mulf %mul3A_14, %neg3A_12 : vector<128x1024xf32>
    %reduce_sum3A_16 = vector.shape_cast %mul3A_15 : vector<128x1024xf32> to vector<1x128x1024xf32>
    %reduce_sum3A_17 = arith.constant dense<0.000000e+00> : vector<1xf32>
    %reduce_sum3A_18 = vector.multi_reduction <add>, %reduce_sum3A_16, %reduce_sum3A_17 [1, 2] : vector<1x128x1024xf32> to vector<1xf32>
    %reduce_sum3A_19 = vector.shape_cast %reduce_sum3A_18 : vector<1xf32> to vector<1x1x1xf32>
    %reduce_sum3A_20 = vector.extract %reduce_sum3A_19[0, 0, 0] : f32 from vector<1x1x1xf32>
    %add3A_21 = arith.addf %add3A_10, %reduce_sum3A_20 : f32
    %get3A_22 = arith.constant 0 : index
    %get3A_23 = arith.constant 0 : index
    %get3A_24 = vector.load %arg2[%get3A_22, %get3A_23] : memref<128x1024xf32, #tpu.memory_space<vmem>>, vector<128x1024xf32>
    %mul3A_25 = arith.constant 0.000000e+00 : f32
    %mul3A_26 = vector.broadcast %mul3A_25 : f32 to vector<128x1024xf32>
    %mul3A_27 = arith.mulf %mul3A_26, %get3A_24 : vector<128x1024xf32>
    %reduce_sum3A_28 = vector.shape_cast %mul3A_27 : vector<128x1024xf32> to vector<1x128x1024xf32>
    %reduce_sum3A_29 = arith.constant dense<0.000000e+00> : vector<1xf32>
    %reduce_sum3A_30 = vector.multi_reduction <add>, %reduce_sum3A_28, %reduce_sum3A_29 [1, 2] : vector<1x128x1024xf32> to vector<1xf32>
    %reduce_sum3A_31 = vector.shape_cast %reduce_sum3A_30 : vector<1xf32> to vector<1x1x1xf32>
    %reduce_sum3A_32 = vector.extract %reduce_sum3A_31[0, 0, 0] : f32 from vector<1x1x1xf32>
    %add3A_33 = arith.addf %add3A_21, %reduce_sum3A_32 : f32
    %neg3A_34 = arith.constant 0.000000e+00 : f32
    %neg3A_35 = vector.broadcast %neg3A_34 : f32 to vector<128x1024xf32>
    %neg3A_36 = arith.subf %neg3A_35, %get3A_24 : vector<128x1024xf32>
    %mul3A_37 = arith.constant 0.000000e+00 : f32
    %mul3A_38 = vector.broadcast %mul3A_37 : f32 to vector<128x1024xf32>
    %mul3A_39 = arith.mulf %mul3A_38, %neg3A_36 : vector<128x1024xf32>
    %reduce_sum3A_40 = vector.shape_cast %mul3A_39 : vector<128x1024xf32> to vector<1x128x1024xf32>
    %reduce_sum3A_41 = arith.constant dense<0.000000e+00> : vector<1xf32>
    %reduce_sum3A_42 = vector.multi_reduction <add>, %reduce_sum3A_40, %reduce_sum3A_41 [1, 2] : vector<1x128x1024xf32> to vector<1xf32>
    %reduce_sum3A_43 = vector.shape_cast %reduce_sum3A_42 : vector<1xf32> to vector<1x1x1xf32>
    %reduce_sum3A_44 = vector.extract %reduce_sum3A_43[0, 0, 0] : f32 from vector<1x1x1xf32>
    %add3A_45 = arith.addf %add3A_33, %reduce_sum3A_44 : f32
    %get3A_46 = arith.constant 0 : index
    %get3A_47 = arith.constant 0 : index
    %get3A_48 = vector.load %arg3[%get3A_46, %get3A_47] : memref<128x1024xf32, #tpu.memory_space<vmem>>, vector<128x1024xf32>
    %mul3A_49 = arith.constant 0.000000e+00 : f32
    %mul3A_50 = vector.broadcast %mul3A_49 : f32 to vector<128x1024xf32>
    %mul3A_51 = arith.mulf %mul3A_50, %get3A_48 : vector<128x1024xf32>
    %reduce_sum3A_52 = vector.shape_cast %mul3A_51 : vector<128x1024xf32> to vector<1x128x1024xf32>
    %reduce_sum3A_53 = arith.constant dense<0.000000e+00> : vector<1xf32>
    %reduce_sum3A_54 = vector.multi_reduction <add>, %reduce_sum3A_52, %reduce_sum3A_53 [1, 2] : vector<1x128x1024xf32> to vector<1xf32>
    %reduce_sum3A_55 = vector.shape_cast %reduce_sum3A_54 : vector<1xf32> to vector<1x1x1xf32>
    %reduce_sum3A_56 = vector.extract %reduce_sum3A_55[0, 0, 0] : f32 from vector<1x1x1xf32>
    %add3A_57 = arith.addf %add3A_45, %reduce_sum3A_56 : f32
    %neg3A_58 = arith.constant 0.000000e+00 : f32
    %neg3A_59 = vector.broadcast %neg3A_58 : f32 to vector<128x1024xf32>
    %neg3A_60 = arith.subf %neg3A_59, %get3A_48 : vector<128x1024xf32>
    %mul3A_61 = arith.constant 0.000000e+00 : f32
    %mul3A_62 = vector.broadcast %mul3A_61 : f32 to vector<128x1024xf32>
    %mul3A_63 = arith.mulf %mul3A_62, %neg3A_60 : vector<128x1024xf32>
    %reduce_sum3A_64 = vector.shape_cast %mul3A_63 : vector<128x1024xf32> to vector<1x128x1024xf32>
    %reduce_sum3A_65 = arith.constant dense<0.000000e+00> : vector<1xf32>
    %reduce_sum3A_66 = vector.multi_reduction <add>, %reduce_sum3A_64, %reduce_sum3A_65 [1, 2] : vector<1x128x1024xf32> to vector<1xf32>
    %reduce_sum3A_67 = vector.shape_cast %reduce_sum3A_66 : vector<1xf32> to vector<1x1x1xf32>
    %reduce_sum3A_68 = vector.extract %reduce_sum3A_67[0, 0, 0] : f32 from vector<1x1x1xf32>
    %add3A_69 = arith.addf %add3A_57, %reduce_sum3A_68 : f32
    %get3A_70 = arith.constant 0 : index
    %get3A_71 = arith.constant 0 : index
    %get3A_72 = vector.load %arg4[%get3A_70, %get3A_71] : memref<128x1024xf32, #tpu.memory_space<vmem>>, vector<128x1024xf32>
    %mul3A_73 = arith.constant 0.000000e+00 : f32
    %mul3A_74 = vector.broadcast %mul3A_73 : f32 to vector<128x1024xf32>
    %mul3A_75 = arith.mulf %mul3A_74, %get3A_72 : vector<128x1024xf32>
    %reduce_sum3A_76 = vector.shape_cast %mul3A_75 : vector<128x1024xf32> to vector<1x128x1024xf32>
    %reduce_sum3A_77 = arith.constant dense<0.000000e+00> : vector<1xf32>
    %reduce_sum3A_78 = vector.multi_reduction <add>, %reduce_sum3A_76, %reduce_sum3A_77 [1, 2] : vector<1x128x1024xf32> to vector<1xf32>
    %reduce_sum3A_79 = vector.shape_cast %reduce_sum3A_78 : vector<1xf32> to vector<1x1x1xf32>
    %reduce_sum3A_80 = vector.extract %reduce_sum3A_79[0, 0, 0] : f32 from vector<1x1x1xf32>
    %add3A_81 = arith.addf %add3A_69, %reduce_sum3A_80 : f32
    %neg3A_82 = arith.constant 0.000000e+00 : f32
    %neg3A_83 = vector.broadcast %neg3A_82 : f32 to vector<128x1024xf32>
    %neg3A_84 = arith.subf %neg3A_83, %get3A_72 : vector<128x1024xf32>
    %mul3A_85 = arith.constant 0.000000e+00 : f32
    %mul3A_86 = vector.broadcast %mul3A_85 : f32 to vector<128x1024xf32>
    %mul3A_87 = arith.mulf %mul3A_86, %neg3A_84 : vector<128x1024xf32>
    %reduce_sum3A_88 = vector.shape_cast %mul3A_87 : vector<128x1024xf32> to vector<1x128x1024xf32>
    %reduce_sum3A_89 = arith.constant dense<0.000000e+00> : vector<1xf32>
    %reduce_sum3A_90 = vector.multi_reduction <add>, %reduce_sum3A_88, %reduce_sum3A_89 [1, 2] : vector<1x128x1024xf32> to vector<1xf32>
    %reduce_sum3A_91 = vector.shape_cast %reduce_sum3A_90 : vector<1xf32> to vector<1x1x1xf32>
    %reduce_sum3A_92 = vector.extract %reduce_sum3A_91[0, 0, 0] : f32 from vector<1x1x1xf32>
    %add3A_93 = arith.addf %add3A_81, %reduce_sum3A_92 : f32
    %get3A_94 = arith.constant 0 : index
    %get3A_95 = arith.constant 0 : index
    %get3A_96 = vector.load %arg5[%get3A_94, %get3A_95] : memref<128x1024xf32, #tpu.memory_space<vmem>>, vector<128x1024xf32>
    %bitcast_convert_type3A = tpu.bitcast %get3A_96 : vector<128x1024xf32> -> vector<128x1024xi32>
    %and3A = arith.constant 2147483647 : i32
    %and3A_97 = vector.broadcast %and3A : i32 to vector<128x1024xi32>
    %and3A_98 = arith.andi %bitcast_convert_type3A, %and3A_97 : vector<128x1024xi32>
    %gt3A = arith.constant 2139095040 : i32
    %gt3A_99 = vector.broadcast %gt3A : i32 to vector<128x1024xi32>
    %gt3A_100 = arith.cmpi sgt, %and3A_98, %gt3A_99 : vector<128x1024xi32>
    %jit3A = arith.constant 1 : i32
    %jit3A_101 = arith.constant 0 : i32
    %broadcast_in_dim3A = vector.broadcast %jit3A : i32 to vector<128x1024xi32>
    %broadcast_in_dim3A_102 = vector.broadcast %jit3A_101 : i32 to vector<128x1024xi32>
    %select_n3A = arith.select %gt3A_100, %broadcast_in_dim3A, %broadcast_in_dim3A_102 : vector<128x1024xi1>, vector<128x1024xi32>
    %reduce_sum3A_103 = vector.shape_cast %select_n3A : vector<128x1024xi32> to vector<1x128x1024xi32>
    %reduce_sum3A_104 = arith.constant dense<0> : vector<1xi32>
    %reduce_sum3A_105 = vector.multi_reduction <add>, %reduce_sum3A_103, %reduce_sum3A_104 [1, 2] : vector<1x128x1024xi32> to vector<1xi32>
    %reduce_sum3A_106 = vector.shape_cast %reduce_sum3A_105 : vector<1xi32> to vector<1x1x1xi32>
    %reduce_sum3A_107 = vector.extract %reduce_sum3A_106[0, 0, 0] : i32 from vector<1x1x1xi32>
    %convert_element_type3A_108 = arith.sitofp %reduce_sum3A_107 : i32 to f32
    %get3A_109 = arith.constant 0 : index
    %get3A_110 = memref.load %arg7[%get3A_109] : memref<2xf32, #tpu.memory_space<smem>>
    %add3A_111 = arith.addf %get3A_110, %add3A_93 : f32
    %swap3A = arith.constant 0 : index
    %swap3A_112 = memref.load %arg7[%swap3A] : memref<2xf32, #tpu.memory_space<smem>>
    memref.store %add3A_111, %arg7[%swap3A] : memref<2xf32, #tpu.memory_space<smem>>
    %get3A_113 = arith.constant 1 : index
    %get3A_114 = memref.load %arg7[%get3A_113] : memref<2xf32, #tpu.memory_space<smem>>
    %add3A_115 = arith.addf %get3A_114, %convert_element_type3A_108 : f32
    %swap3A_116 = arith.constant 1 : index
    %swap3A_117 = memref.load %arg7[%swap3A_116] : memref<2xf32, #tpu.memory_space<smem>>
    memref.store %add3A_115, %arg7[%swap3A_116] : memref<2xf32, #tpu.memory_space<smem>>
    %eq3A_118 = arith.constant 7 : i32
    %eq3A_119 = arith.cmpi eq, %arg0, %eq3A_118 : i32
    %convert_element_type3A_120 = arith.extui %eq3A_119 : i1 to i32
    %cond3A_121 = arith.constant 0 : i32
    %cond3A_122 = arith.cmpi ne, %convert_element_type3A_120, %cond3A_121 : i32
    scf.if %cond3A_122 {
      %get3A_123 = arith.constant 0 : index
      %get3A_124 = memref.load %arg7[%get3A_123] : memref<2xf32, #tpu.memory_space<smem>>
      %swap3A_125 = arith.constant 0 : index
      %swap3A_126 = memref.load %arg6[%swap3A_125] : memref<2xf32, #tpu.memory_space<smem>>
      memref.store %get3A_124, %arg6[%swap3A_125] : memref<2xf32, #tpu.memory_space<smem>>
      %get3A_127 = arith.constant 1 : index
      %get3A_128 = memref.load %arg7[%get3A_127] : memref<2xf32, #tpu.memory_space<smem>>
      %swap3A_129 = arith.constant 1 : index
      %swap3A_130 = memref.load %arg6[%swap3A_129] : memref<2xf32, #tpu.memory_space<smem>>
      memref.store %get3A_128, %arg6[%swap3A_129] : memref<2xf32, #tpu.memory_space<smem>>
    } else {
    }
    return
  }
  func.func @transform_0(%arg0: i32) -> (i32, i32) {
    %add3A = arith.constant 0 : i32
    %add3A_0 = arith.addi %arg0, %add3A : i32
    %c0_i32 = arith.constant 0 : i32
    %c0_i32_1 = arith.constant 0 : i32
    return %c0_i32, %add3A_0 : i32, i32
  }
  func.func @transform_1(%arg0: i32) -> (i32, i32) {
    %add3A = arith.constant 8 : i32
    %add3A_0 = arith.addi %arg0, %add3A : i32
    %c0_i32 = arith.constant 0 : i32
    %c0_i32_1 = arith.constant 0 : i32
    return %c0_i32, %add3A_0 : i32, i32
  }
  func.func @transform_2(%arg0: i32) -> (i32, i32) {
    %add3A = arith.constant 16 : i32
    %add3A_0 = arith.addi %arg0, %add3A : i32
    %c0_i32 = arith.constant 0 : i32
    %c0_i32_1 = arith.constant 0 : i32
    return %c0_i32, %add3A_0 : i32, i32
  }
  func.func @transform_3(%arg0: i32) -> (i32, i32) {
    %add3A = arith.constant 24 : i32
    %add3A_0 = arith.addi %arg0, %add3A : i32
    %c0_i32 = arith.constant 0 : i32
    %c0_i32_1 = arith.constant 0 : i32
    return %c0_i32, %add3A_0 : i32, i32
  }
  func.func @transform_4(%arg0: i32) -> (i32, i32) {
    %add3A = arith.constant 24 : i32
    %add3A_0 = arith.addi %arg0, %add3A : i32
    %c0_i32 = arith.constant 0 : i32
    %c0_i32_1 = arith.constant 0 : i32
    return %c0_i32, %add3A_0 : i32, i32
  }
  func.func @transform_5(%arg0: i32) -> i32 {
    %c0_i32 = arith.constant 0 : i32
    %c0_i32_0 = arith.constant 0 : i32
    return %c0_i32 : i32
  }
}

module attributes {stable_mosaic.version = 14 : i64} {
  func.func @_finalize_body(%arg0: memref<512xf32, #tpu.memory_space<vmem>>, %arg1: memref<2xf32, #tpu.memory_space<smem>>, %arg2: memref<1x1xf32, #tpu.memory_space<smem>>) attributes {dimension_semantics = [], scalar_prefetch = 0 : i64, scratch_operands = 0 : i64, tpu.core_type = #tpu.core_type<tc>} {
    %get3A = arith.constant 0 : index
    %get3A_0 = vector.load %arg0[%get3A] : memref<512xf32, #tpu.memory_space<vmem>>, vector<512xf32>
    %reduce_sum3A = vector.shape_cast %get3A_0 : vector<512xf32> to vector<1x512xf32>
    %reduce_sum3A_1 = arith.constant dense<0.000000e+00> : vector<1xf32>
    %reduce_sum3A_2 = vector.multi_reduction <add>, %reduce_sum3A, %reduce_sum3A_1 [1] : vector<1x512xf32> to vector<1xf32>
    %reduce_sum3A_3 = vector.shape_cast %reduce_sum3A_2 : vector<1xf32> to vector<1x1xf32>
    %reduce_sum3A_4 = vector.extract %reduce_sum3A_3[0, 0] : f32 from vector<1x1xf32>
    %get3A_5 = arith.constant 1 : index
    %get3A_6 = memref.load %arg1[%get3A_5] : memref<2xf32, #tpu.memory_space<smem>>
    %add3A = arith.addf %reduce_sum3A_4, %get3A_6 : f32
    %min3A = arith.constant 6.400000e+02 : f32
    %min3A_7 = arith.minimumf %add3A, %min3A : f32
    %sub3A = arith.constant 0x4A800000 : f32
    %sub3A_8 = arith.subf %sub3A, %min3A_7 : f32
    %get3A_9 = arith.constant 0 : index
    %get3A_10 = memref.load %arg1[%get3A_9] : memref<2xf32, #tpu.memory_space<smem>>
    %div3A = arith.divf %get3A_10, %sub3A_8 : f32
    %swap3A = arith.constant 0 : index
    %swap3A_11 = arith.constant 0 : index
    %swap3A_12 = memref.load %arg2[%swap3A, %swap3A_11] : memref<1x1xf32, #tpu.memory_space<smem>>
    memref.store %div3A, %arg2[%swap3A, %swap3A_11] : memref<1x1xf32, #tpu.memory_space<smem>>
    return
  }
}

</mosaic_0001>

<sc_bundles>
// kernel: kernel.5.cloned.1.call-start
scs
__scs_entry_jumppad:
0x0: {  	(pc) =	sbr.rel $0x88, $3  }
0x1: {  	(tag) =	ssettag $0x0;
	lr =	simm.s32 $0x1  }
0x2: {  	[smem:$0x3F9F] =	sst lr;
	_ =	strace $0xD0000000  }
0x3: {  	_ = 	snop  }
0x4: {  	_ = 	snop  }
0x5: {  	_ = 	snop  }
0x6: {  	_ = 	snop  }
0x7: {  	_ = 	snop  }
__scs_overlays_trampoline_lowered:
0x8: {  	[smem:$0x3FAE] =	sst s0  }
0x9: {  	[smem:$0x3FAF] =	sst s1  }
0xa: {  	[smem:$0x3FB0] =	sst s2  }
0xb: {  	[smem:$0x3FB1] =	sst s3  }
0xc: {  	[smem:$0x3FB2] =	sst s4  }
0xd: {  	[smem:$0x3FB3] =	sst s5  }
0xe: {  	[smem:$0x3FB4] =	sst s6  }
0xf: {  	[smem:$0x3FB5] =	sst s7  }
0x10: {  	[smem:$0x3FB6] =	sst s8  }
0x11: {  	[smem:$0x3FB7] =	sst s9;
	s0 =	simm.s32 @!p0 $0x0  }
0x12: {  	s1 =	sld [smem:$0x3F9D];
	s0 =	simm.s32 @p0 $0x1  }
0x13: {  	[smem:$0x3FB8] =	sst s0;
	s0 =	simm.s32 @!p1 $0x0  }
0x14: {  	s2 =	sld [smem:$0x3F9C];
	s0 =	simm.s32 @p1 $0x1  }
0x15: {  	[smem:$0x3FB9] =	sst s0;
	s0 =	simm.s32 @!p2 $0x0  }
0x16: {  	s3 =	sld [smem:$0x3FDB];
	s0 =	simm.s32 @p2 $0x1  }
0x17: {  	s4 =	simm.s32 $0x1BF5;
	[smem:$0x3FBB] =	sst s0  }
0x18: {  	s0 =	sld [smem:$0x3F9E];
	_ =	swait.ge [sflag:s4], $0x0  }
0x19: {  	s7 =	sld [smem:$0x3F9F]  }
0x1a: {  	s8 =	sadd.s32 $0xFFFFE003, lr  }
0x1b: {  	s9 =	sadd.s32 $0xFFFFFEF7, lr;
	s5 =	simm.s32 $0xFFFFFFFF;
	p2 =	slt.u32 s8, $0xFFFFF086  }
0x1c: {  	p1 =	slt.u32 s9, $0xF7A;
	s5 =	simm.s32 @!p2 $0x0  }
0x1d: {  	s5 =	simm.s32 @p1 $0x1;
	p0 =	seq.s32 s7, s2  }
0x1e: {  	s7 =	smul.u32 @!p0 $0xF7A, s2;
	p2 =	seq.s32 @!p0 s5, $0x0  }
0x1f: {  	s9 =	smul.u32 $0xF7A, s1;
	s8 =	simm.s32 @!p0 $0x1BF5;
	p2 =	por !p2, p0  }
0x20: {  	[sflag:s8] =	ssyncset.s32 @!p0 $0xFFFFF086;
	s6 =	sadd.s32 @!p0 s3, s7;
	s7 =	simm.s32 @!p0 $0x108  }
0x21: {  	s3 =	sadd.s32 s3, s9;
	s6 =	sadd.s32 @!p0 $0x88, s6;
	s7 =	simm.s32 @p2 $0x1082  }
0x22: {  	[simem:s7], [sflag:s8] =	dma.local @!p0 [hbm:s6], $0xF7A  }
0x23: {  	s9 =	sor.u32 $0xD0000000, s2;
	s6 =	simm.s32 $0x108;
	_ =	swait.ge @!p0 [sflag:s8], $0x0  }
0x24: {  	s3 =	sadd.s32 $0x88, s3;
	s6 =	simm.s32 @!p1 $0x1082;
	[sflag:s4] =	ssyncset.s32 $0xFFFFF086  }
0x25: {  	[simem:s6], [sflag:s4] =	dma.local [hbm:s3], $0xF7A  }
0x26: {  	[smem:$0x3F9F] =	sst s1;
	(tag) =	ssettag s2;
	_ =	strace s9  }
0x27: {  	s1 =	sld [smem:$0x3FAF]  }
0x28: {  	s2 =	sld [smem:$0x3FB0]  }
0x29: {  	s4 =	sld [smem:$0x3FB2]  }
0x2a: {  	p0 =	seq.s32 s5, $0x0;
	s5 =	sld [smem:$0x3FB3]  }
0x2b: {  	s6 =	sld [smem:$0x3FB4]  }
0x2c: {  	s7 =	sld [smem:$0x3FB5]  }
0x2d: {  	s3 =	simm.s32 $0x108;
	s8 =	sld [smem:$0x3FB6]  }
0x2e: {  	s3 =	simm.s32 @!p0 $0x1082;
	s9 =	sld [smem:$0x3FB7]  }
0x2f: {  	lr =	sadd.s32 s0, s3;
	s0 =	sld [smem:$0x3FAE]  }
0x30: {  	s3 =	sld [smem:$0x3FB1]  }
0x31: {  	[smem:$0x3FBA] =	sst s10  }
0x32: {  	s10 =	sld [smem:$0x3FB8];
	_ =	sdelay $0x3  }
0x33: {  	p0 =	seq.s32 s10, $0x1;
	s10 =	sld [smem:$0x3FBA];
	_ =	sdelay $0x3  }
0x34: {  	[smem:$0x3FBA] =	sst s10  }
0x35: {  	s10 =	sld [smem:$0x3FB9];
	_ =	sdelay $0x3  }
0x36: {  	p1 =	seq.s32 s10, $0x1;
	s10 =	sld [smem:$0x3FBA];
	_ =	sdelay $0x3  }
0x37: {  	[smem:$0x3FBA] =	sst s10  }
0x38: {  	s10 =	sld [smem:$0x3FBB]  }
0x39: {  	_ = 	snop;
	(pc) =	sbr.ind lr, $3  }
0x3a: {  	_ = 	snop  }
0x3b: {  	_ = 	snop  }
0x3c: {  	p2 =	seq.s32 s10, $0x1;
	s10 =	sld [smem:$0x3FBA]  }
0x3d: {  	_ =	shalt  }
0x3e: {  	_ =	shalt  }
0x3f: {  	_ =	shalt  }
0x40: {  	_ =	shalt  }
0x41: {  	_ =	shalt  }
0x42: {  	_ =	shalt  }
0x43: {  	_ =	shalt  }
0x44: {  	_ =	shalt  }
0x45: {  	_ =	shalt  }
0x46: {  	_ =	shalt  }
0x47: {  	_ =	shalt  }
0x48: {  	_ =	shalt  }
0x49: {  	_ =	shalt  }
0x4a: {  	_ =	shalt  }
0x4b: {  	_ =	shalt  }
0x4c: {  	_ =	shalt  }
0x4d: {  	_ =	shalt  }
0x4e: {  	_ =	shalt  }
0x4f: {  	_ =	shalt  }
0x50: {  	_ =	shalt  }
0x51: {  	_ =	shalt  }
0x52: {  	_ =	shalt  }
0x53: {  	_ =	shalt  }
0x54: {  	_ =	shalt  }
0x55: {  	_ =	shalt  }
0x56: {  	_ =	shalt  }
0x57: {  	_ =	shalt  }
0x58: {  	_ =	shalt  }
0x59: {  	_ =	shalt  }
0x5a: {  	_ =	shalt  }
0x5b: {  	_ =	shalt  }
0x5c: {  	_ =	shalt  }
0x5d: {  	_ =	shalt  }
0x5e: {  	_ =	shalt  }
0x5f: {  	_ =	shalt  }
0x60: {  	_ =	shalt  }
0x61: {  	_ =	shalt  }
0x62: {  	_ =	shalt  }
0x63: {  	_ =	shalt  }
0x64: {  	_ =	shalt  }
0x65: {  	_ =	shalt  }
0x66: {  	_ =	shalt  }
0x67: {  	_ =	shalt  }
0x68: {  	_ =	shalt  }
0x69: {  	_ =	shalt  }
0x6a: {  	_ =	shalt  }
0x6b: {  	_ =	shalt  }
0x6c: {  	_ =	shalt  }
0x6d: {  	_ =	shalt  }
0x6e: {  	_ =	shalt  }
0x6f: {  	_ =	shalt  }
0x70: {  	_ =	shalt  }
0x71: {  	_ =	shalt  }
0x72: {  	_ =	shalt  }
0x73: {  	_ =	shalt  }
0x74: {  	_ =	shalt  }
0x75: {  	_ =	shalt  }
0x76: {  	_ =	shalt  }
0x77: {  	_ =	shalt  }
0x78: {  	_ =	shalt  }
0x79: {  	_ =	shalt  }
0x7a: {  	_ =	shalt  }
0x7b: {  	_ =	shalt  }
0x7c: {  	_ =	shalt  }
0x7d: {  	_ =	shalt  }
0x7e: {  	_ =	shalt  }
0x7f: {  	_ =	shalt  }
0x80: {  	_ =	shalt  }
0x81: {  	_ =	shalt  }
0x82: {  	_ =	shalt  }
0x83: {  	_ =	shalt  }
0x84: {  	_ =	shalt  }
0x85: {  	_ =	shalt  }
0x86: {  	_ =	shalt  }
0x87: {  	_ =	shalt  }
.Lfunc_end0:
.L_simem_size_0:
called_computation_lowered:
.L_overlay_start_0:
0x88: {  	s2 =	sld [smem:$0x3FD9]  }
0x89: {  	s3 =	sld [smem:$0x3FFE];
	_ =	sdelay $0x1  }
0x8a: {  	s1 =	srdreg.scid  }
0x8b: {  	s0 =	sand.u32 $0x1, s1  }
0x8c: {  	s17 =	sshll.u32 s0, $0xA;
	s2 =	sadd.s32 s3, s2  }
0x8d: {  	s2 =	sadd.s32 s2, s17  }
0x8e: {  	[smem:$0x3FC6] =	sst s2  }
0x8f: {  	_ = 	snop  }
0x90: {  	s2 =	sld [smem:$0x3FC8];
	(tm) =	ssettm $0x1  }
0x91: {  	s18 =	sld [smem:$0x3FFB];
	_ =	sdelay $0x3  }
0x92: {  	_ =	strace s18  }
0x93: {  	s3 =	sld [smem:$0x3FFC];
	_ =	sdelay $0x3  }
0x94: {  	_ =	strace s3  }
0x95: {  	s3 =	sld [smem:$0x3FFD];
	_ =	sdelay $0x3  }
0x96: {  	_ =	strace s3  }
0x97: {  	_ =	strace $0x8FFFFFFF  }
0x98: {  	s19 =	sld [smem:$0x3FDB];
	_ =	sdelay $0x1  }
0x99: {  	s4 =	simm.s32 $_scs_section_size  }
0x9a: {  	s5 =	simm.s32 $_size__tile_overlayer_lowered;
	s6 =	simm.s32 $_tile_overlayer_lowered  }
0x9b: {  	s22 =	simm.s32 $0x1BFF;
	s21 =	sshll.u32 s6, $0x1;
	s3 =	sadd.s32 s4, s19  }
0x9c: {  	s7 =	simm.s32 $0x0;
	s20 =	sshll.u32 s5, $0x1;
	s5 =	sadd.s32 s21, s3  }
0x9d: {  	[timem:s7], [sflag:s22] =	dma.local [hbm:s5], s20  }
0x9e: {  	_ =	swait.ge [sflag:s22], s20  }
0x9f: {  	s4 =	ssub.s32 $0x0, s20;
	[sflag:s22] =	ssyncset.done $0x0  }
0xa0: {  	[sflag:s22] =	ssyncadd.s32 s4;
	_ =	sdelay $0x1  }
0xa1: {  	s23 =	simm.s32 $0x1B8B  }
0xa2: {  	_ =	swait.ge [sflag:s23], $0x1  }
0xa3: {  	[sflag:s23] =	ssyncset.done $0x0  }
0xa4: {  	s25 =	simm.s32 $0x1B8E;
	s24 =	sld [smem:$0x3FFE];
	[sflag:s23] =	ssyncadd.s32 $0xFFFFFFFF  }
0xa5: {  	s26 =	simm.s32 $execute0_lowered;
	[smem:$0x3FD2] =	sst s25  }
0xa6: {  	s5 =	sshll.u32 s26, $0x1;
	_ =	strace $0x80000046;
	[dreg:$0x1] =	wrdreg $0xFFFFFFFF  }
0xa7: {  	s28 =	simm.s32 $_size_execute0_lowered;
	s3 =	sadd.s32 s3, s5;
	[dreg:$0x0] =	wrdreg $0x0  }
0xa8: {  	s5 =	sshll.u32 s28, $0x1;
	[dreg:$0x2] =	wrdreg s3  }
0xa9: {  	[dreg:$0x3] =	wrdreg s5  }
0xaa: {  	[dreg:$0x4] =	wrdreg $0xC0  }
0xab: {  	_ =	task [dreg:s7], $0x5FFFF  }
0xac: {  	[dreg:$0x1] =	wrdreg $0xFFFFFFFF  }
0xad: {  	[dreg:$0x0] =	wrdreg $0x60  }
0xae: {  	[dreg:$0x2] =	wrdreg s2  }
0xaf: {  	[dreg:$0x3] =	wrdreg s24  }
0xb0: {  	[dreg:$0x4] =	wrdreg $0x9  }
0xb1: {  	_ =	task.clear_ibuf [dreg:s7], $0x5FFFF;
	_ =	strace $0x90000046  }
0xb2: {  	s29 =	simm.s32 $0x9;
	_ =	strace $0x80000048  }
0xb3: {  	_ =	swait.ge [sflag:s29], $0x1  }
0xb4: {  	[sflag:s29] =	ssyncadd.s32 $0xFFFFFFFF  }
0xb5: {  	_ =	strace $0x90000048  }
0xb6: {  	_ =	sfence  }
0xb7: {  	s30 =	sld [smem:$0x0];
	_ =	sdelay $0x2  }
0xb8: {  	s31 =	sshll.u32 s1, $0xD;
	s1 =	sshrl.u32 s1, $0x2  }
0xb9: {  	s3 =	sand.u32 $0x4000, s31;
	s1 =	sadd.s32 s1, s30  }
0xba: {  	s0 =	sor.u32 s3, s0;
	s1 =	sshll.u32 s1, $0x11  }
0xbb: {  	s0 =	sor.u32 s1, s0  }
0xbc: {  	s0 =	sadd.s32 $0x8F2B, s0  }
0xbd: {  	[sflag:s0] =	ssyncadd.remote.s32 $0x1  }
0xbe: {  	_ =	sfence.sel $0xFFFF  }
0xbf: {  	[dreg:$0x0] =	wrdreg $0xFFFFFFFF;
	(pc) =	sbr.abs _section_cstart, $3  }
0xc0: {  	[dreg:$0x1] =	wrdreg $0xFFFFFFFF  }
0xc1: {  	_ =	task.clear_ibuf [dreg:s7], $0x2FFFF;
	_ =	strace $0x9FFFFFFF  }
0xc2: {  	(tm) =	ssettm $0x7FFFFFFF  }
0xc3: {  	_ =	shalt  }
tec
execute0_lowered:
.L_overlay_start_1:
0x0: {  	(tag) =	ssettag $0x1  }
0x1: {  	s6 =	rddreg [dreg:$0x0]  }
0x2: {  	s1 =	srdreg.scid;
	s0 =	stileid.u32  }
0x3: {  	s3 =	rddreg [dreg:$0x1];
	s2 =	simm.s32 $0x0;
	s12 =	simm.s32 $0x3  }
0x4: {  	s4 =	sand.u32 $0x1, s1;
	s5 =	sshll.u32 s0, $0x1;
	s1 =	rddreg [dreg:$0x2]  }
0x5: {  	s13 =	simm.s32 $0x0;
	[smem:$0x7FF] =	sst s2;
	s5 =	sor.u32 s4, s5  }
0x6: {  	p1 =	seq.s32 s4, $0x1;
	_ =	strace $0x80000047;
	p0 =	seq.s32 s5, $0x0  }
0x7: {  	s4 =	ssub.s32 $0x2, s4;
	s5 =	sshll.u32 s5, $0x1;
	p0 =	por !p0, !p1  }
0x8: {  	s7 =	sadd.s32 s5, s3;
	s3 =	simm.s32 $0x1;
	p0 =	por !p0, !p0  }
0x9: {  	s8 =	sshrl.u32 s4, $0x1;
	s5 =	simm.s32 $0x3000;
	s3 =	simm.s32 @!p0 $0x0  }
0xa: {  	s8 =	ssub.s32 s4, s8;
	s5 =	simm.s32 @!p1 $0x0;
	s3 =	ssub.s32 s0, s3  }
0xb: {  	s7 =	sadd.s32 $0x800, s7;
	s9 =	sshll.u32 s5, $0x3;
	s29 =	sshll.u32 s3, $0x12  }
0xc: {  	s8 =	smax.u32 s8, $0x1;
	s5 =	sadd.s32 s6, s5;
	s4 =	sor.u32 s29, s9  }
0xd: {  	s3 =	simm.s32 $0x1;
	s10 =	sshrl.u32 s29, $0x3;
	s9 =	sadd.s32 $0x8000, s4  }
0xe: {  	s11 =	sadd.s32 $0x10000, s4;
	s4 =	sadd.s32 s10, s5;
	s10 =	simm.s32 $0x2  }
0xf: {  	s30 =	sshrl.u32 s9, $0x3;
	s31 =	sshrl.u32 s11, $0x3;
	s9 =	simm.s32 $0x8000  }
0x10: {  	v0 =	vimm.s32 $0x0;
	s11 =	simm.s32 $0x10000;
	s5 =	sadd.s32 s6, s30;
	s6 =	sadd.s32 s6, s31  }
.LBB2_1:
0x11: {  	[tilespmem:s2], [sflag:$0x1] =	stream.linear.gather [hbm4b:s4+s2], $0x8000, $0x38;
	[tilespmem:$0x10080] =	vst v63  }
0x12: {  	_ = 	snop  }
0x13: {  	[tilespmem:s9], [sflag:$0x2] =	stream.linear.gather [hbm4b:s5+s2], $0x8000, $0x38;
	[tilespmem:$0x10080] =	vst v63  }
0x14: {  	_ =	swait.ge [sflag:s3], $0x8000  }
0x15: {  	v1 =	vimm.s32 $0x0;
	[sflag:s3] =	ssyncset.done $0x0  }
0x16: {  	s14 =	simm.s32 $0x40;
	v3 =	vimm.s32 $0x0;
	v4 =	vimm.s32 $0x0;
	v2 =	vimm.s32 $0x0;
	s15 =	simm.s32 $0x0;
	[sflag:s3] =	ssyncadd.s32 $0xFFFF8000  }
.LBB2_2:
0x17: {  	v5 =	vld [tilespmem:s14+$0xFFFFFFD0]  }
0x18: {  	v8 =	vld [tilespmem:s14+$0x0]  }
0x19: {  	v7 =	vld [tilespmem:s14+$0x20]  }
0x1a: {  	v11 =	vld [tilespmem:s14+$0x30]  }
0x1b: {  	v12 =	vld [tilespmem:s14+$0xFFFFFFF0]  }
0x1c: {  	v6 =	vld [tilespmem:s14+$0xFFFFFFC0]  }
0x1d: {  	v5 =	vand.u32 $0x7FFFFFFF, v5;
	v10 =	vand.u32 $0x7FFFFFFF, v8;
	v8 =	vld [tilespmem:s14+$0xFFFFFFE0]  }
0x1e: {  	vm0 =	vgt.u32 v5, $0x7F800000;
	v5 =	vand.u32 $0x7FFFFFFF, v7;
	v7 =	vld [tilespmem:s14+$0x10]  }
0x1f: {  	v13 =	vand.u32 $0x7FFFFFFF, v11;
	v9 =	vsel vm0, $0x1, v0;
	vm0 =	vgt.u32 v5, $0x7F800000  }
0x20: {  	s16 =	simm.s32 $0x0;
	s17 =	sadd.s32 $0x400, s14;
	v11 =	vand.u32 $0x7FFFFFFF, v12;
	v5 =	vsel vm0, $0x1, v0;
	vm0 =	vgt.u32 v13, $0x7F800000  }
.LBB2_3:
0x21: {  	v12 =	vld [tilespmem:s17+$0xFFFFFFD0];
	s16 =	sadd.s32 $0x2, s16;
	v4 =	vadd.s32 v9, v4;
	vm1 =	vgt.u32 v10, $0x7F800000;
	v9 =	vsel vm0, $0x1, v0  }
0x22: {  	v6 =	vand.u32 $0x7FFFFFFF, v6;
	vm0 =	vgt.u32 v11, $0x7F800000;
	v10 =	vld [tilespmem:s17+$0x0];
	p0 =	slt.u32 s16, $0x3E;
	v8 =	vand.u32 $0x7FFFFFFF, v8  }
0x23: {  	vm2 =	vgt.u32 v6, $0x7F800000;
	v6 =	vand.u32 $0x7FFFFFFF, v7;
	v11 =	vld [tilespmem:s17+$0x20];
	vm3 =	vgt.u32 v8, $0x7F800000  }
0x24: {  	v14 =	vsel vm1, $0x1, v0;
	vm1 =	vgt.u32 v6, $0x7F800000;
	v13 =	vld [tilespmem:s17+$0x30];
	v7 =	vsel vm3, $0x1, v0  }
0x25: {  	v8 =	vsel vm2, $0x1, v0;
	v15 =	vsel vm1, $0x1, v0;
	v6 =	vld [tilespmem:s17+$0xFFFFFFC0];
	v3 =	vadd.s32 v7, v3  }
0x26: {  	v16 =	vsel vm0, $0x1, v0;
	v7 =	vand.u32 $0x7FFFFFFF, v12;
	v12 =	vld [tilespmem:s17+$0xFFFFFFF0];
	v3 =	vadd.s32 v5, v3  }
.Ltmp0:
0x27: {  	v1 =	vadd.s32 v16, v1;
	v2 =	vadd.s32 v8, v2;
	vm0 =	vgt.u32 v7, $0x7F800000;
	v7 =	vld [tilespmem:s17+$0x10];
	(pc) =	sbr.rel @p0 .LBB2_3-.Ltmp0, $4  }
0x28: {  	v1 =	vadd.s32 v9, v1;
	v2 =	vadd.s32 v14, v2;
	v8 =	vld [tilespmem:s17+$0xFFFFFFE0];
	v5 =	vand.u32 $0x7FFFFFFF, v11  }
0x29: {  	v10 =	vand.u32 $0x7FFFFFFF, v10;
	v9 =	vsel vm0, $0x1, v0;
	vm0 =	vgt.u32 v5, $0x7F800000  }
0x2a: {  	v4 =	vadd.s32 v15, v4;
	v13 =	vand.u32 $0x7FFFFFFF, v13;
	v5 =	vsel vm0, $0x1, v0  }
0x2b: {  	s17 =	sadd.s32 $0x400, s17;
	vm0 =	vgt.u32 v13, $0x7F800000;
	v11 =	vand.u32 $0x7FFFFFFF, v12  }
0x2c: {  	v4 =	vadd.s32 v9, v4  }
0x2d: {  	vm1 =	vgt.u32 v10, $0x7F800000;
	v61 =	vsel vm0, $0x1, v0;
	v6 =	vand.u32 $0x7FFFFFFF, v6;
	s15 =	sadd.s32 $0x1, s15  }
0x2e: {  	vm14 =	vgt.u32 v11, $0x7F800000;
	v8 =	vand.u32 $0x7FFFFFFF, v8;
	vm3 =	vgt.u32 v6, $0x7F800000;
	p0 =	sne.s32 s15, $0x8  }
.Ltmp1:
0x2f: {  	v6 =	vand.u32 $0x7FFFFFFF, v7;
	v62 =	vsel vm1, $0x1, v0;
	v63 =	vsel vm14, $0x1, v0;
	(pc) =	sbr.rel @p0 .LBB2_2-.Ltmp1, $4  }
0x30: {  	vm2 =	vgt.u32 v8, $0x7F800000;
	vm15 =	vgt.u32 v6, $0x7F800000;
	v6 =	vsel vm3, $0x1, v0  }
0x31: {  	v1 =	vadd.s32 v63, v1;
	v7 =	vsel vm2, $0x1, v0;
	v2 =	vadd.s32 v6, v2  }
0x32: {  	v1 =	vadd.s32 v61, v1;
	v3 =	vadd.s32 v7, v3;
	v7 =	vsel vm15, $0x1, v0  }
0x33: {  	s14 =	sadd.s32 $0x80, s14;
	v2 =	vadd.s32 v62, v2;
	v3 =	vadd.s32 v5, v3;
	v4 =	vadd.s32 v7, v4  }
0x34: {  	s14 =	simm.s32 $0x0  }
0x35: {  	[tilespmem:s14], [sflag:$0x1] =	stream.linear.gather [hbm4b:s6+s14], $0x8000, $0x38;
	[tilespmem:$0x10080] =	vst v63  }
0x36: {  	_ =	swait.ge [sflag:s10], $0x8000  }
0x37: {  	[sflag:s10] =	ssyncset.done $0x0  }
0x38: {  	s15 =	simm.s32 $0x8040;
	[sflag:s10] =	ssyncadd.s32 $0xFFFF8000  }
.LBB2_6:
0x39: {  	v5 =	vld [tilespmem:s15+$0xFFFFFFD0]  }
0x3a: {  	v8 =	vld [tilespmem:s15+$0x0]  }
0x3b: {  	v7 =	vld [tilespmem:s15+$0x20]  }
0x3c: {  	v11 =	vld [tilespmem:s15+$0x30]  }
0x3d: {  	v12 =	vld [tilespmem:s15+$0xFFFFFFF0]  }
0x3e: {  	v6 =	vld [tilespmem:s15+$0xFFFFFFC0]  }
0x3f: {  	v5 =	vand.u32 $0x7FFFFFFF, v5;
	v10 =	vand.u32 $0x7FFFFFFF, v8;
	v8 =	vld [tilespmem:s15+$0xFFFFFFE0]  }
0x40: {  	vm0 =	vgt.u32 v5, $0x7F800000;
	v5 =	vand.u32 $0x7FFFFFFF, v7;
	v7 =	vld [tilespmem:s15+$0x10]  }
0x41: {  	v13 =	vand.u32 $0x7FFFFFFF, v11;
	v9 =	vsel vm0, $0x1, v0;
	vm0 =	vgt.u32 v5, $0x7F800000  }
0x42: {  	s16 =	simm.s32 $0x0;
	s17 =	sadd.s32 $0x400, s15;
	v11 =	vand.u32 $0x7FFFFFFF, v12;
	v5 =	vsel vm0, $0x1, v0;
	vm0 =	vgt.u32 v13, $0x7F800000  }
.LBB2_7:
0x43: {  	v12 =	vld [tilespmem:s17+$0xFFFFFFD0];
	s16 =	sadd.s32 $0x2, s16;
	v4 =	vadd.s32 v9, v4;
	vm1 =	vgt.u32 v10, $0x7F800000;
	v9 =	vsel vm0, $0x1, v0  }
0x44: {  	v6 =	vand.u32 $0x7FFFFFFF, v6;
	vm0 =	vgt.u32 v11, $0x7F800000;
	v10 =	vld [tilespmem:s17+$0x0];
	p0 =	slt.u32 s16, $0x3E;
	v8 =	vand.u32 $0x7FFFFFFF, v8  }
0x45: {  	vm2 =	vgt.u32 v6, $0x7F800000;
	v6 =	vand.u32 $0x7FFFFFFF, v7;
	v11 =	vld [tilespmem:s17+$0x20];
	vm3 =	vgt.u32 v8, $0x7F800000  }
0x46: {  	v14 =	vsel vm1, $0x1, v0;
	vm1 =	vgt.u32 v6, $0x7F800000;
	v13 =	vld [tilespmem:s17+$0x30];
	v7 =	vsel vm3, $0x1, v0  }
0x47: {  	v8 =	vsel vm2, $0x1, v0;
	v15 =	vsel vm1, $0x1, v0;
	v6 =	vld [tilespmem:s17+$0xFFFFFFC0];
	v3 =	vadd.s32 v7, v3  }
0x48: {  	v16 =	vsel vm0, $0x1, v0;
	v7 =	vand.u32 $0x7FFFFFFF, v12;
	v12 =	vld [tilespmem:s17+$0xFFFFFFF0];
	v3 =	vadd.s32 v5, v3  }
.Ltmp2:
0x49: {  	v1 =	vadd.s32 v16, v1;
	v2 =	vadd.s32 v8, v2;
	vm0 =	vgt.u32 v7, $0x7F800000;
	v7 =	vld [tilespmem:s17+$0x10];
	(pc) =	sbr.rel @p0 .LBB2_7-.Ltmp2, $4  }
0x4a: {  	v1 =	vadd.s32 v9, v1;
	v2 =	vadd.s32 v14, v2;
	v8 =	vld [tilespmem:s17+$0xFFFFFFE0];
	v5 =	vand.u32 $0x7FFFFFFF, v11  }
0x4b: {  	v10 =	vand.u32 $0x7FFFFFFF, v10;
	v9 =	vsel vm0, $0x1, v0;
	vm0 =	vgt.u32 v5, $0x7F800000  }
0x4c: {  	v4 =	vadd.s32 v15, v4;
	v13 =	vand.u32 $0x7FFFFFFF, v13;
	v5 =	vsel vm0, $0x1, v0  }
0x4d: {  	s17 =	sadd.s32 $0x400, s17;
	vm0 =	vgt.u32 v13, $0x7F800000;
	v11 =	vand.u32 $0x7FFFFFFF, v12  }
0x4e: {  	v4 =	vadd.s32 v9, v4  }
0x4f: {  	vm1 =	vgt.u32 v10, $0x7F800000;
	v61 =	vsel vm0, $0x1, v0;
	v6 =	vand.u32 $0x7FFFFFFF, v6;
	s14 =	sadd.s32 $0x1, s14  }
0x50: {  	vm14 =	vgt.u32 v11, $0x7F800000;
	v8 =	vand.u32 $0x7FFFFFFF, v8;
	vm3 =	vgt.u32 v6, $0x7F800000;
	p0 =	sne.s32 s14, $0x8  }
.Ltmp3:
0x51: {  	v6 =	vand.u32 $0x7FFFFFFF, v7;
	v62 =	vsel vm1, $0x1, v0;
	v63 =	vsel vm14, $0x1, v0;
	(pc) =	sbr.rel @p0 .LBB2_6-.Ltmp3, $4  }
0x52: {  	vm2 =	vgt.u32 v8, $0x7F800000;
	vm15 =	vgt.u32 v6, $0x7F800000;
	v6 =	vsel vm3, $0x1, v0  }
0x53: {  	v1 =	vadd.s32 v63, v1;
	v7 =	vsel vm2, $0x1, v0;
	v2 =	vadd.s32 v6, v2  }
0x54: {  	v1 =	vadd.s32 v61, v1;
	v3 =	vadd.s32 v7, v3;
	v7 =	vsel vm15, $0x1, v0  }
0x55: {  	s15 =	sadd.s32 $0x80, s15;
	v2 =	vadd.s32 v62, v2;
	v3 =	vadd.s32 v5, v3;
	v4 =	vadd.s32 v7, v4  }
0x56: {  	_ =	swait.ge [sflag:s3], $0x8000  }
0x57: {  	[sflag:s3] =	ssyncset.done $0x0  }
0x58: {  	s14 =	simm.s32 $0x0;
	s15 =	simm.s32 $0x40;
	[sflag:s3] =	ssyncadd.s32 $0xFFFF8000  }
.LBB2_10:
0x59: {  	v5 =	vld [tilespmem:s15+$0xFFFFFFD0]  }
0x5a: {  	v8 =	vld [tilespmem:s15+$0x0]  }
0x5b: {  	v7 =	vld [tilespmem:s15+$0x20]  }
0x5c: {  	v11 =	vld [tilespmem:s15+$0x30]  }
0x5d: {  	v12 =	vld [tilespmem:s15+$0xFFFFFFF0]  }
0x5e: {  	v6 =	vld [tilespmem:s15+$0xFFFFFFC0]  }
0x5f: {  	v5 =	vand.u32 $0x7FFFFFFF, v5;
	v10 =	vand.u32 $0x7FFFFFFF, v8;
	v8 =	vld [tilespmem:s15+$0xFFFFFFE0]  }
0x60: {  	vm0 =	vgt.u32 v5, $0x7F800000;
	v5 =	vand.u32 $0x7FFFFFFF, v7;
	v7 =	vld [tilespmem:s15+$0x10]  }
0x61: {  	v13 =	vand.u32 $0x7FFFFFFF, v11;
	v9 =	vsel vm0, $0x1, v0;
	vm0 =	vgt.u32 v5, $0x7F800000  }
0x62: {  	s16 =	simm.s32 $0x0;
	s17 =	sadd.s32 $0x400, s15;
	v11 =	vand.u32 $0x7FFFFFFF, v12;
	v5 =	vsel vm0, $0x1, v0;
	vm0 =	vgt.u32 v13, $0x7F800000  }
.LBB2_11:
0x63: {  	v12 =	vld [tilespmem:s17+$0xFFFFFFD0];
	s16 =	sadd.s32 $0x2, s16;
	v4 =	vadd.s32 v9, v4;
	vm1 =	vgt.u32 v10, $0x7F800000;
	v9 =	vsel vm0, $0x1, v0  }
0x64: {  	v6 =	vand.u32 $0x7FFFFFFF, v6;
	vm0 =	vgt.u32 v11, $0x7F800000;
	v10 =	vld [tilespmem:s17+$0x0];
	p0 =	slt.u32 s16, $0x3E;
	v8 =	vand.u32 $0x7FFFFFFF, v8  }
0x65: {  	vm2 =	vgt.u32 v6, $0x7F800000;
	v6 =	vand.u32 $0x7FFFFFFF, v7;
	v11 =	vld [tilespmem:s17+$0x20];
	vm3 =	vgt.u32 v8, $0x7F800000  }
0x66: {  	v14 =	vsel vm1, $0x1, v0;
	vm1 =	vgt.u32 v6, $0x7F800000;
	v13 =	vld [tilespmem:s17+$0x30];
	v7 =	vsel vm3, $0x1, v0  }
0x67: {  	v8 =	vsel vm2, $0x1, v0;
	v15 =	vsel vm1, $0x1, v0;
	v6 =	vld [tilespmem:s17+$0xFFFFFFC0];
	v3 =	vadd.s32 v7, v3  }
0x68: {  	v16 =	vsel vm0, $0x1, v0;
	v7 =	vand.u32 $0x7FFFFFFF, v12;
	v12 =	vld [tilespmem:s17+$0xFFFFFFF0];
	v3 =	vadd.s32 v5, v3  }
.Ltmp4:
0x69: {  	v1 =	vadd.s32 v16, v1;
	v2 =	vadd.s32 v8, v2;
	vm0 =	vgt.u32 v7, $0x7F800000;
	v7 =	vld [tilespmem:s17+$0x10];
	(pc) =	sbr.rel @p0 .LBB2_11-.Ltmp4, $4  }
0x6a: {  	v1 =	vadd.s32 v9, v1;
	v2 =	vadd.s32 v14, v2;
	v8 =	vld [tilespmem:s17+$0xFFFFFFE0];
	v5 =	vand.u32 $0x7FFFFFFF, v11  }
0x6b: {  	v10 =	vand.u32 $0x7FFFFFFF, v10;
	v9 =	vsel vm0, $0x1, v0;
	vm0 =	vgt.u32 v5, $0x7F800000  }
0x6c: {  	v4 =	vadd.s32 v15, v4;
	v13 =	vand.u32 $0x7FFFFFFF, v13;
	v5 =	vsel vm0, $0x1, v0  }
0x6d: {  	s17 =	sadd.s32 $0x400, s17;
	vm0 =	vgt.u32 v13, $0x7F800000;
	v11 =	vand.u32 $0x7FFFFFFF, v12  }
0x6e: {  	v4 =	vadd.s32 v9, v4  }
0x6f: {  	vm1 =	vgt.u32 v10, $0x7F800000;
	v61 =	vsel vm0, $0x1, v0;
	v6 =	vand.u32 $0x7FFFFFFF, v6;
	s14 =	sadd.s32 $0x1, s14  }
0x70: {  	vm14 =	vgt.u32 v11, $0x7F800000;
	v8 =	vand.u32 $0x7FFFFFFF, v8;
	vm3 =	vgt.u32 v6, $0x7F800000;
	p0 =	sne.s32 s14, $0x8  }
.Ltmp5:
0x71: {  	v6 =	vand.u32 $0x7FFFFFFF, v7;
	v62 =	vsel vm1, $0x1, v0;
	v63 =	vsel vm14, $0x1, v0;
	(pc) =	sbr.rel @p0 .LBB2_10-.Ltmp5, $4  }
0x72: {  	vm2 =	vgt.u32 v8, $0x7F800000;
	vm15 =	vgt.u32 v6, $0x7F800000;
	v6 =	vsel vm3, $0x1, v0  }
0x73: {  	v1 =	vadd.s32 v63, v1;
	v7 =	vsel vm2, $0x1, v0;
	v2 =	vadd.s32 v6, v2  }
0x74: {  	v1 =	vadd.s32 v61, v1;
	v3 =	vadd.s32 v7, v3;
	v7 =	vsel vm15, $0x1, v0  }
0x75: {  	s15 =	sadd.s32 $0x80, s15;
	v2 =	vadd.s32 v62, v2;
	v3 =	vadd.s32 v5, v3;
	v4 =	vadd.s32 v7, v4  }
0x76: {  	v2 =	vadd.s32 v2, v4  }
0x77: {  	v2 =	vadd.s32 v3, v2  }
0x78: {  	v1 =	vadd.s32 v1, v2  }
0x79: {  	s13 =	sadd.s32 $0x1, s13;
	v1 =	vcvt.s32.f32 v1  }
0x7a: {  	p0 =	sne.s32 s13, s8  }
.Ltmp6:
0x7b: {  	[tilespmem:$0x10000] =	vst v1;
	(pc) =	sbr.rel @p0 .LBB2_1-.Ltmp6, $4  }
0x7c: {  	[hbm4b:s7+s2] =	stream.linear.scatter [tilespmem:s11], [sflag:$0x3], $0x10, $0x38;
	[tilespmem:$0x10080] =	vst v63  }
0x7d: {  	_ =	swait.ge [sflag:s12], $0x10  }
0x7e: {  	[sflag:s12] =	ssyncset.done $0x0  }
0x7f: {  	[sflag:s12] =	ssyncadd.s32 $0xFFFFFFF0  }
0x80: {  	_ =	sfence.sel $0x180000  }
0x81: {  	[bflag:$0x0] =	sbarrier.arrive $0xFFFF  }
0x82: {  	p0 =	sne.s32 s0, $0x0;
	_ =	strace $0x90000047  }
0x83: {  	s0 =	sadd.s32 @!p0 $0x100000, s1;
	[bflag:$0x2] =	sbarrier.arrive $0xFFFF  }
0x84: {  	[sflag:s0] =	ssyncadd.tile.s32 @!p0 $0x1;
	_ =	shalt  }
.Lfunc_end2:
_tile_overlayer_lowered:
.L_overlay_start_2:
0x85: {  	(tag) =	ssettag $0x2  }
0x86: {  	s0 =	rddreg [dreg:$0x0];
	s2 =	stileid.u32  }
0x87: {  	s1 =	rddreg [dreg:$0x1];
	p0 =	sne.s32 s2, $0x0  }
0x88: {  	s3 =	rddreg [dreg:$0x2];
	[bflag:$0x3] =	sbarrier.arrive $0xFFFF;
	s2 =	simm.s32 @!p0 $0x1C03  }
0x89: {  	[timem:s3], [sflag:s2] =	dma.local @!p0 [hbm:s0], s1  }
0x8a: {  	s0 =	simm.s32 @!p0 $0x3  }
0x8b: {  	_ =	swait.ge @!p0 [sflag:s0], s1  }
0x8c: {  	s1 =	ssub.s32 @!p0 $0x0, s1;
	[sflag:s0] =	ssyncset.done @!p0 $0x0  }
0x8d: {  	[sflag:s0] =	ssyncadd.s32 @!p0 s1  }
0x8e: {  	[bflag:$0x3] =	sbarrier.arrive $0xFFFF  }
0x8f: {  	_ =	shalt  }

</sc_bundles>
